<compile_context>
chip_gen: v7x
topology: tpu7x:2x2x1
jax: 0.10.2.dev20260603
libtpu: 0.0.44.dev20260713+nightly
codegen_flags: <defaults>
</compile_context>

<pallas_src>
import functools

import jax
import jax.numpy as jnp
from jax import lax
from jax.experimental import pallas as pl
from jax.experimental.pallas import tpu as pltpu
from jax.experimental.pallas import tpu_sc as plsc

NNODES = 10000
NPAD = 10240
NC, NS, LANES = 2, 16, 16
NW = NC * NS
EB = 128
F0 = 0.555
RB = 1024

_MESH = plsc.VectorSubcoreMesh(core_axis_name="c", subcore_axis_name="s")


def _degree_kernel(edges_hbm):
    kd = edges_hbm.shape[2]
    rows = NPAD // NS

    @functools.partial(
        pl.kernel,
        out_type=jax.ShapeDtypeStruct((NC, NPAD, LANES), jnp.float32),
        mesh=_MESH,
        compiler_params=pltpu.CompilerParams(use_tc_tiling_on_sc=False),
        scratch_types=[
            pltpu.VMEM((kd, EB), jnp.int32),
            pltpu.VMEM((EB, LANES), jnp.float32),
            pltpu.VMEM_SHARED((NPAD, LANES), jnp.float32),
        ],
    )
    def k(e_hbm, deg_hbm, idx_v, buf_v, acc_sh):
        c = lax.axis_index("c")
        s = lax.axis_index("s")

        @pl.loop(0, EB)
        def _(i):
            buf_v[i, :] = jnp.zeros((LANES,), jnp.float32)

        for t in range(rows // EB):
            pltpu.sync_copy(buf_v, acc_sh.at[pl.ds(s * rows + t * EB, EB)])
        plsc.subcore_barrier()

        @pl.loop(0, EB)
        def _(i):
            buf_v[i, :] = jnp.ones((LANES,), jnp.float32)

        pltpu.sync_copy(e_hbm.at[c, s], idx_v)

        @pl.loop(0, kd)
        def _(j):
            pltpu.sync_copy(buf_v, acc_sh.at[idx_v.at[j]], add=True)

        plsc.subcore_barrier()
        pltpu.sync_copy(acc_sh.at[pl.ds(s * rows, rows)],
                        deg_hbm.at[c, pl.ds(s * rows, rows)])

    return k(edges_hbm)


def _prop_kernel(table_hbm, edges_hbm, kb0, kb1):
    d = table_hbm.shape[1]
    k_max = edges_hbm.shape[1]
    rows = NPAD // NS

    @functools.partial(
        pl.kernel,
        out_type=jax.ShapeDtypeStruct((NC, NPAD, d), jnp.float32),
        mesh=_MESH,
        compiler_params=pltpu.CompilerParams(use_tc_tiling_on_sc=False),
        scratch_types=[
            pltpu.VMEM((k_max, 2, EB), jnp.int32),
            pltpu.VMEM((EB, d), jnp.float32),
            pltpu.VMEM_SHARED((NPAD, d), jnp.float32),
            pltpu.SemaphoreType.DMA,
        ],
    )
    def k(tab_hbm, e_hbm, out_hbm, idx_v, rows_v, acc_sh, sem):
        c = lax.axis_index("c")
        s = lax.axis_index("s")
        w = c * NS + s
        kb = jnp.where(c == 0, kb0, kb1)

        @pl.loop(0, EB)
        def _(i):
            @pl.loop(0, d, step=LANES)
            def _(jc):
                rows_v[i, pl.ds(jc, LANES)] = jnp.zeros((LANES,), jnp.float32)

        for t in range(rows // EB):
            pltpu.sync_copy(rows_v, acc_sh.at[pl.ds(s * rows + t * EB, EB)])
        plsc.subcore_barrier()

        pltpu.sync_copy(e_hbm.at[w], idx_v)

        @pl.loop(0, kb)
        def _(j):
            pltpu.async_copy(tab_hbm.at[idx_v.at[j, 0]], rows_v, sem).wait()
            pltpu.sync_copy(rows_v, acc_sh.at[idx_v.at[j, 1]], add=True)

        plsc.subcore_barrier()
        pltpu.sync_copy(acc_sh.at[pl.ds(s * rows, rows)],
                        out_hbm.at[c, pl.ds(s * rows, rows)])

    return k(table_hbm, edges_hbm)


def _scale_x(x, deg_rep):
    n, nfeat = x.shape
    rb = 1000
    assert n % rb == 0

    def body(x_ref, d_ref, o_ref):
        ns = lax.rsqrt(jnp.maximum(d_ref[0, :, 0:1], 1.0))
        o_ref[...] = x_ref[...] * ns

    return pl.pallas_call(
        body,
        grid=(n // rb,),
        in_specs=[
            pl.BlockSpec((rb, nfeat), lambda i: (i, 0)),
            pl.BlockSpec((NC, rb, LANES), lambda i: (0, i, 0)),
        ],
        out_specs=pl.BlockSpec((rb, nfeat), lambda i: (i, 0)),
        out_shape=jax.ShapeDtypeStruct((NPAD, nfeat), jnp.float32),
    )(x, deg_rep)


def _fused_mlp(agg1, deg_rep, W1, b1_2d, W2):
    nfeat, nhid = W1.shape
    nclass = W2.shape[1]

    def body(a_ref, d_ref, w1_ref, b1_ref, w2_ref, o_ref):
        a = a_ref[0] + a_ref[1]
        nd = lax.rsqrt(jnp.maximum(d_ref[1, :, 0:1], 1.0))
        ns = lax.rsqrt(jnp.maximum(d_ref[0, :, 0:1], 1.0))
        h = jnp.dot(a * nd, w1_ref[...], preferred_element_type=jnp.float32)
        h = jnp.maximum(h + b1_ref[...], 0.0)
        y = jnp.dot(h, w2_ref[...], preferred_element_type=jnp.float32)
        o_ref[...] = y * ns

    return pl.pallas_call(
        body,
        grid=(NPAD // RB,),
        in_specs=[
            pl.BlockSpec((NC, RB, nfeat), lambda i: (0, i, 0)),
            pl.BlockSpec((NC, RB, LANES), lambda i: (0, i, 0)),
            pl.BlockSpec((nfeat, nhid), lambda i: (0, 0)),
            pl.BlockSpec((1, nhid), lambda i: (0, 0)),
            pl.BlockSpec((nhid, nclass), lambda i: (0, 0)),
        ],
        out_specs=pl.BlockSpec((RB, nclass), lambda i: (i, 0)),
        out_shape=jax.ShapeDtypeStruct((NPAD, nclass), jnp.float32),
    )(agg1, deg_rep, W1, b1_2d, W2)


def _finish(agg2, deg_rep, b2_2d, n):
    nclass = agg2.shape[2]
    rb = 1000
    assert n % rb == 0

    def body(a_ref, d_ref, b_ref, o_ref):
        a = a_ref[0] + a_ref[1]
        nd = lax.rsqrt(jnp.maximum(d_ref[1, :, 0:1], 1.0))
        o_ref[...] = a * nd + b_ref[...]

    return pl.pallas_call(
        body,
        grid=(n // rb,),
        in_specs=[
            pl.BlockSpec((NC, rb, nclass), lambda i: (0, i, 0)),
            pl.BlockSpec((NC, rb, LANES), lambda i: (0, i, 0)),
            pl.BlockSpec((1, nclass), lambda i: (0, 0)),
        ],
        out_specs=pl.BlockSpec((rb, nclass), lambda i: (i, 0)),
        out_shape=jax.ShapeDtypeStruct((n, nclass), jnp.float32),
    )(agg2, deg_rep, b2_2d)


@jax.jit
def _gcn(x, edge_index, W1, b1, W2, b2):
    src = edge_index[0].astype(jnp.int32)
    dst = edge_index[1].astype(jnp.int32)
    n, nfeat = x.shape
    e = src.shape[0]

    blocks = -(-e // EB)
    kb0 = max(1, min(int(round(blocks * F0 / NS)), blocks // NS))
    b0 = kb0 * NS
    kb1 = -(-(blocks - b0) // NS)
    kmax = max(kb0, kb1)
    epad = (b0 + kb1 * NS) * EB
    fill = jnp.full((epad - e,), NNODES, jnp.int32)
    srcp = jnp.concatenate([src, fill])
    dstp = jnp.concatenate([dst, fill])

    def _slabs(a):
        p0 = a[:b0 * EB].reshape(NS, kb0, EB)
        p1 = a[b0 * EB:].reshape(NS, kb1, EB)
        p0 = jnp.concatenate(
            [p0, jnp.full((NS, kmax - kb0, EB), NNODES, jnp.int32)], axis=1)
        p1 = jnp.concatenate(
            [p1, jnp.full((NS, kmax - kb1, EB), NNODES, jnp.int32)], axis=1)
        return jnp.concatenate([p0, p1], axis=0)

    edges = jnp.stack([_slabs(srcp), _slabs(dstp)], axis=2)
    kd = epad // (NS * EB)
    edges_deg = jnp.stack(
        [srcp.reshape(NS, kd, EB), dstp.reshape(NS, kd, EB)])

    deg_rep = _degree_kernel(edges_deg)

    xs = _scale_x(x, deg_rep)
    agg1 = _prop_kernel(xs, edges, kb0, kb1)
    ys = _fused_mlp(agg1, deg_rep, W1, b1.reshape(1, -1), W2)
    agg2 = _prop_kernel(ys, edges, kb0, kb1)
    return _finish(agg2, deg_rep, b2.reshape(1, -1), n)


def kernel(x, edge_index, W1, b1, W2, b2):
    return _gcn(x, edge_index, W1, b1, W2, b2)

# --- scband reference (transcript-rebuilt; emitter-appended) ---
"""Pipeline reference for scband-gcn-56487409877505 (READ-ONLY COPY).

The authoritative reference and input builder live on the scoring server;
editing this copy changes nothing except your own understanding.
"""

import jax, jax.numpy as jnp
import numpy as np

N = 10000
E = 320000
NFEAT = 128
NHID = 256
NCLASS = 64


def setup_inputs(seed: int = 0) -> dict:
    key = jax.random.key(seed)
    k0, k1, k2, k3, k4, k5 = jax.random.split(key, 6)
    x = jax.random.normal(k0, (N, NFEAT), dtype=jnp.float32)
    edge_index = jax.random.randint(k1, (2, E), 0, N)
    W1 = jax.random.normal(k2, (NFEAT, NHID), dtype=jnp.float32) * (1.0 / np.sqrt(NFEAT))
    b1 = jnp.zeros((NHID,), dtype=jnp.float32)
    W2 = jax.random.normal(k3, (NHID, NCLASS), dtype=jnp.float32) * (1.0 / np.sqrt(NHID))
    b2 = jnp.zeros((NCLASS,), dtype=jnp.float32)
    return {"x": x, "edge_index": edge_index, "W1": W1, "b1": b1, "W2": W2, "b2": b2}


def _gcn_layer(x, W, b, src, dst):
    # DGL-style GraphConv with symmetric ('both') normalization:
    # out = D_in^{-1/2} * A * D_out^{-1/2} * (X W) + b
    h = x @ W
    ones = jnp.ones((src.shape[0],), dtype=h.dtype)
    deg_out = jnp.zeros((N,), dtype=h.dtype).at[src].add(ones)
    deg_in = jnp.zeros((N,), dtype=h.dtype).at[dst].add(ones)
    norm_src = jax.lax.rsqrt(jnp.maximum(deg_out, 1.0))
    norm_dst = jax.lax.rsqrt(jnp.maximum(deg_in, 1.0))
    msg = h[src] * norm_src[src][:, None]
    agg = jnp.zeros((N, h.shape[1]), dtype=h.dtype).at[dst].add(msg)
    return agg * norm_dst[:, None] + b


def reference(x, edge_index, W1, b1, W2, b2):
    src = edge_index[0]
    dst = edge_index[1]
    h = jax.nn.relu(_gcn_layer(x, W1, b1, src, dst))
    # dropout is identity in eval mode
    out = _gcn_layer(h, W2, b2, src, dst)
    return out

if __name__ == "__main__":
    import jax
    _d = setup_inputs()
    print(jax.jit(kernel)(*tuple(_d.values())))

</pallas_src>

<mosaic_0001>
#map = affine_map<(d0, d1) -> (0, 0)>
#map1 = affine_map<(d0, d1) -> (0, 0, 0, 0)>
#map2 = affine_map<(d0, d1) -> (0, 0, 0)>
module attributes {stable_mosaic.version = 14 : i64} {
  func.func @k(%arg0: i32, %arg1: i32, %arg2: memref<10240x64xf32, #tpu.memory_space<hbm>>, %arg3: memref<32x87x2x128xi32, #tpu.memory_space<hbm>>, %arg4: memref<2x10240x64xf32, #tpu.memory_space<hbm>>, %arg5: memref<87x2x128xi32, #tpu.memory_space<vmem>>, %arg6: memref<128x64xf32, #tpu.memory_space<vmem>>, %arg7: memref<10240x64xf32, #tpu.memory_space<vmem_shared>>, %arg8: memref<!tpu.dma_semaphore, #tpu.memory_space<semaphore_mem>>) attributes {dimension_semantics = [#tpu.dimension_semantics<core_parallel>, #tpu.dimension_semantics<subcore_parallel>], iteration_bounds = array<i64: 2, 16>, scalar_prefetch = 0 : i64, scratch_operands = 4 : i64, tpu.core_type = #tpu.core_type<sc_vector_subcore>, window_params = [{transform_indices = #map}, {transform_indices = #map1}, {transform_indices = #map2}]} {
    %mul3A = arith.constant 16 : i32
    %mul3A_0 = arith.muli %arg0, %mul3A : i32
    %add3A = arith.addi %mul3A_0, %arg1 : i32
    %eq3A = arith.constant 0 : i32
    %eq3A_1 = arith.cmpi eq, %arg0, %eq3A : i32
    %jit3A = arith.constant 87 : i32
    %jit3A_2 = arith.constant 70 : i32
    %select_n3A = arith.select %eq3A_1, %jit3A, %jit3A_2 : i32
    %scan3A = arith.constant 0 : i32
    %scan3A_3 = arith.constant 128 : i32
    %scan3A_4 = arith.addi %scan3A, %scan3A_3 : i32
    %scan3A_5 = arith.constant 1 : i32
    scf.for %scan3A_48 = %scan3A to %scan3A_4 step %scan3A_5  : i32 {
      %mul3A_49 = arith.constant 1 : i32
      %mul3A_50 = arith.muli %scan3A_48, %mul3A_49 : i32
      %add3A_51 = arith.constant 0 : i32
      %add3A_52 = arith.addi %add3A_51, %mul3A_50 : i32
      %scan3A_53 = arith.constant 0 : i32
      %scan3A_54 = arith.constant 4 : i32
      %scan3A_55 = arith.addi %scan3A_53, %scan3A_54 : i32
      %scan3A_56 = arith.constant 1 : i32
      scf.for %scan3A_58 = %scan3A_53 to %scan3A_55 step %scan3A_56  : i32 {
        %mul3A_59 = arith.constant 16 : i32
        %mul3A_60 = arith.muli %scan3A_58, %mul3A_59 : i32
        %add3A_61 = arith.constant 0 : i32
        %add3A_62 = arith.addi %add3A_61, %mul3A_60 : i32
        %broadcast_in_dim3A = arith.constant 0.000000e+00 : f32
        %broadcast_in_dim3A_63 = vector.broadcast %broadcast_in_dim3A : f32 to vector<16xf32>
        %swap3A = arith.index_cast %add3A_52 : i32 to index
        %swap3A_64 = arith.index_cast %add3A_62 : i32 to index
        %swap3A_65 = tpu.vector_load %arg6[%swap3A, %swap3A_64] {strides = array<i32>} : memref<128x64xf32, #tpu.memory_space<vmem>>, vector<1x16xf32>,
        %swap3A_66 = vector.shape_cast %swap3A_65 : vector<1x16xf32> to vector<16xf32>
        %swap3A_67 = vector.shape_cast %broadcast_in_dim3A_63 : vector<16xf32> to vector<1x16xf32>
        tpu.vector_store %arg6[%swap3A, %swap3A_64], %swap3A_67 {strides = array<i32>} : memref<128x64xf32, #tpu.memory_space<vmem>>, vector<1x16xf32>,
      }
      %scan3A_57 = arith.constant 4 : i32
    }
    %scan3A_6 = arith.constant 128 : i32
    %mul3A_7 = arith.constant 640 : i32
    %mul3A_8 = arith.muli %arg1, %mul3A_7 : i32
    %add3A_9 = arith.constant 0 : i32
    %add3A_10 = arith.addi %mul3A_8, %add3A_9 : i32
    "tpu.region"() ({
      %run_scoped3A = tpu.sem_alloc : memref<!tpu.dma_semaphore, #tpu.memory_space<semaphore_mem>>
      %dma_start3A = arith.constant 0 : i32
      %dma_start3A_48 = tpu.memref_slice %arg7[%add3A_10, %dma_start3A] : memref<10240x64xf32, #tpu.memory_space<vmem_shared>> -> memref<128x64xf32, #tpu.memory_space<vmem_shared>>
      %dma_start3A_49 = arith.constant 0 : i32
      %dma_start3A_50 = tpu.memref_slice %arg7[%add3A_10, %dma_start3A_49] : memref<10240x64xf32, #tpu.memory_space<vmem_shared>> -> memref<128x64xf32, #tpu.memory_space<vmem_shared>>
      tpu.enqueue_dma source(%arg6 : memref<128x64xf32, #tpu.memory_space<vmem>>) target(%dma_start3A_50 : memref<128x64xf32, #tpu.memory_space<vmem_shared>>) target_semaphore(%run_scoped3A : memref<!tpu.dma_semaphore, #tpu.memory_space<semaphore_mem>>)
      %dma_wait3A = arith.constant 0 : i32
      %dma_wait3A_51 = tpu.memref_slice %arg7[%add3A_10, %dma_wait3A] : memref<10240x64xf32, #tpu.memory_space<vmem_shared>> -> memref<128x64xf32, #tpu.memory_space<vmem_shared>>
      %dma_wait3A_52 = arith.constant 0 : i32
      %dma_wait3A_53 = tpu.memref_slice %arg7[%add3A_10, %dma_wait3A_52] : memref<10240x64xf32, #tpu.memory_space<vmem_shared>> -> memref<128x64xf32, #tpu.memory_space<vmem_shared>>
      tpu.wait_dma2 semaphore(%run_scoped3A : memref<!tpu.dma_semaphore, #tpu.memory_space<semaphore_mem>>) src(%arg6 : memref<128x64xf32, #tpu.memory_space<vmem>>) dst(%dma_wait3A_53 : memref<128x64xf32, #tpu.memory_space<vmem_shared>>)
      tpu.yield
    }) : () -> ()
    %mul3A_11 = arith.constant 640 : i32
    %mul3A_12 = arith.muli %arg1, %mul3A_11 : i32
    %add3A_13 = arith.constant 128 : i32
    %add3A_14 = arith.addi %mul3A_12, %add3A_13 : i32
    "tpu.region"() ({
      %run_scoped3A = tpu.sem_alloc : memref<!tpu.dma_semaphore, #tpu.memory_space<semaphore_mem>>
      %dma_start3A = arith.constant 0 : i32
      %dma_start3A_48 = tpu.memref_slice %arg7[%add3A_14, %dma_start3A] : memref<10240x64xf32, #tpu.memory_space<vmem_shared>> -> memref<128x64xf32, #tpu.memory_space<vmem_shared>>
      %dma_start3A_49 = arith.constant 0 : i32
      %dma_start3A_50 = tpu.memref_slice %arg7[%add3A_14, %dma_start3A_49] : memref<10240x64xf32, #tpu.memory_space<vmem_shared>> -> memref<128x64xf32, #tpu.memory_space<vmem_shared>>
      tpu.enqueue_dma source(%arg6 : memref<128x64xf32, #tpu.memory_space<vmem>>) target(%dma_start3A_50 : memref<128x64xf32, #tpu.memory_space<vmem_shared>>) target_semaphore(%run_scoped3A : memref<!tpu.dma_semaphore, #tpu.memory_space<semaphore_mem>>)
      %dma_wait3A = arith.constant 0 : i32
      %dma_wait3A_51 = tpu.memref_slice %arg7[%add3A_14, %dma_wait3A] : memref<10240x64xf32, #tpu.memory_space<vmem_shared>> -> memref<128x64xf32, #tpu.memory_space<vmem_shared>>
      %dma_wait3A_52 = arith.constant 0 : i32
      %dma_wait3A_53 = tpu.memref_slice %arg7[%add3A_14, %dma_wait3A_52] : memref<10240x64xf32, #tpu.memory_space<vmem_shared>> -> memref<128x64xf32, #tpu.memory_space<vmem_shared>>
      tpu.wait_dma2 semaphore(%run_scoped3A : memref<!tpu.dma_semaphore, #tpu.memory_space<semaphore_mem>>) src(%arg6 : memref<128x64xf32, #tpu.memory_space<vmem>>) dst(%dma_wait3A_53 : memref<128x64xf32, #tpu.memory_space<vmem_shared>>)
      tpu.yield
    }) : () -> ()
    %mul3A_15 = arith.constant 640 : i32
    %mul3A_16 = arith.muli %arg1, %mul3A_15 : i32
    %add3A_17 = arith.constant 256 : i32
    %add3A_18 = arith.addi %mul3A_16, %add3A_17 : i32
    "tpu.region"() ({
      %run_scoped3A = tpu.sem_alloc : memref<!tpu.dma_semaphore, #tpu.memory_space<semaphore_mem>>
      %dma_start3A = arith.constant 0 : i32
      %dma_start3A_48 = tpu.memref_slice %arg7[%add3A_18, %dma_start3A] : memref<10240x64xf32, #tpu.memory_space<vmem_shared>> -> memref<128x64xf32, #tpu.memory_space<vmem_shared>>
      %dma_start3A_49 = arith.constant 0 : i32
      %dma_start3A_50 = tpu.memref_slice %arg7[%add3A_18, %dma_start3A_49] : memref<10240x64xf32, #tpu.memory_space<vmem_shared>> -> memref<128x64xf32, #tpu.memory_space<vmem_shared>>
      tpu.enqueue_dma source(%arg6 : memref<128x64xf32, #tpu.memory_space<vmem>>) target(%dma_start3A_50 : memref<128x64xf32, #tpu.memory_space<vmem_shared>>) target_semaphore(%run_scoped3A : memref<!tpu.dma_semaphore, #tpu.memory_space<semaphore_mem>>)
      %dma_wait3A = arith.constant 0 : i32
      %dma_wait3A_51 = tpu.memref_slice %arg7[%add3A_18, %dma_wait3A] : memref<10240x64xf32, #tpu.memory_space<vmem_shared>> -> memref<128x64xf32, #tpu.memory_space<vmem_shared>>
      %dma_wait3A_52 = arith.constant 0 : i32
      %dma_wait3A_53 = tpu.memref_slice %arg7[%add3A_18, %dma_wait3A_52] : memref<10240x64xf32, #tpu.memory_space<vmem_shared>> -> memref<128x64xf32, #tpu.memory_space<vmem_shared>>
      tpu.wait_dma2 semaphore(%run_scoped3A : memref<!tpu.dma_semaphore, #tpu.memory_space<semaphore_mem>>) src(%arg6 : memref<128x64xf32, #tpu.memory_space<vmem>>) dst(%dma_wait3A_53 : memref<128x64xf32, #tpu.memory_space<vmem_shared>>)
      tpu.yield
    }) : () -> ()
    %mul3A_19 = arith.constant 640 : i32
    %mul3A_20 = arith.muli %arg1, %mul3A_19 : i32
    %add3A_21 = arith.constant 384 : i32
    %add3A_22 = arith.addi %mul3A_20, %add3A_21 : i32
    "tpu.region"() ({
      %run_scoped3A = tpu.sem_alloc : memref<!tpu.dma_semaphore, #tpu.memory_space<semaphore_mem>>
      %dma_start3A = arith.constant 0 : i32
      %dma_start3A_48 = tpu.memref_slice %arg7[%add3A_22, %dma_start3A] : memref<10240x64xf32, #tpu.memory_space<vmem_shared>> -> memref<128x64xf32, #tpu.memory_space<vmem_shared>>
      %dma_start3A_49 = arith.constant 0 : i32
      %dma_start3A_50 = tpu.memref_slice %arg7[%add3A_22, %dma_start3A_49] : memref<10240x64xf32, #tpu.memory_space<vmem_shared>> -> memref<128x64xf32, #tpu.memory_space<vmem_shared>>
      tpu.enqueue_dma source(%arg6 : memref<128x64xf32, #tpu.memory_space<vmem>>) target(%dma_start3A_50 : memref<128x64xf32, #tpu.memory_space<vmem_shared>>) target_semaphore(%run_scoped3A : memref<!tpu.dma_semaphore, #tpu.memory_space<semaphore_mem>>)
      %dma_wait3A = arith.constant 0 : i32
      %dma_wait3A_51 = tpu.memref_slice %arg7[%add3A_22, %dma_wait3A] : memref<10240x64xf32, #tpu.memory_space<vmem_shared>> -> memref<128x64xf32, #tpu.memory_space<vmem_shared>>
      %dma_wait3A_52 = arith.constant 0 : i32
      %dma_wait3A_53 = tpu.memref_slice %arg7[%add3A_22, %dma_wait3A_52] : memref<10240x64xf32, #tpu.memory_space<vmem_shared>> -> memref<128x64xf32, #tpu.memory_space<vmem_shared>>
      tpu.wait_dma2 semaphore(%run_scoped3A : memref<!tpu.dma_semaphore, #tpu.memory_space<semaphore_mem>>) src(%arg6 : memref<128x64xf32, #tpu.memory_space<vmem>>) dst(%dma_wait3A_53 : memref<128x64xf32, #tpu.memory_space<vmem_shared>>)
      tpu.yield
    }) : () -> ()
    %mul3A_23 = arith.constant 640 : i32
    %mul3A_24 = arith.muli %arg1, %mul3A_23 : i32
    %add3A_25 = arith.constant 512 : i32
    %add3A_26 = arith.addi %mul3A_24, %add3A_25 : i32
    "tpu.region"() ({
      %run_scoped3A = tpu.sem_alloc : memref<!tpu.dma_semaphore, #tpu.memory_space<semaphore_mem>>
      %dma_start3A = arith.constant 0 : i32
      %dma_start3A_48 = tpu.memref_slice %arg7[%add3A_26, %dma_start3A] : memref<10240x64xf32, #tpu.memory_space<vmem_shared>> -> memref<128x64xf32, #tpu.memory_space<vmem_shared>>
      %dma_start3A_49 = arith.constant 0 : i32
      %dma_start3A_50 = tpu.memref_slice %arg7[%add3A_26, %dma_start3A_49] : memref<10240x64xf32, #tpu.memory_space<vmem_shared>> -> memref<128x64xf32, #tpu.memory_space<vmem_shared>>
      tpu.enqueue_dma source(%arg6 : memref<128x64xf32, #tpu.memory_space<vmem>>) target(%dma_start3A_50 : memref<128x64xf32, #tpu.memory_space<vmem_shared>>) target_semaphore(%run_scoped3A : memref<!tpu.dma_semaphore, #tpu.memory_space<semaphore_mem>>)
      %dma_wait3A = arith.constant 0 : i32
      %dma_wait3A_51 = tpu.memref_slice %arg7[%add3A_26, %dma_wait3A] : memref<10240x64xf32, #tpu.memory_space<vmem_shared>> -> memref<128x64xf32, #tpu.memory_space<vmem_shared>>
      %dma_wait3A_52 = arith.constant 0 : i32
      %dma_wait3A_53 = tpu.memref_slice %arg7[%add3A_26, %dma_wait3A_52] : memref<10240x64xf32, #tpu.memory_space<vmem_shared>> -> memref<128x64xf32, #tpu.memory_space<vmem_shared>>
      tpu.wait_dma2 semaphore(%run_scoped3A : memref<!tpu.dma_semaphore, #tpu.memory_space<semaphore_mem>>) src(%arg6 : memref<128x64xf32, #tpu.memory_space<vmem>>) dst(%dma_wait3A_53 : memref<128x64xf32, #tpu.memory_space<vmem_shared>>)
      tpu.yield
    }) : () -> ()
    %barrier3A = arith.constant 0 : index
    tpu.barrier barrier_id(%barrier3A)
    "tpu.region"() ({
      %run_scoped3A = tpu.sem_alloc : memref<!tpu.dma_semaphore, #tpu.memory_space<semaphore_mem>>
      %dma_start3A = arith.constant 0 : i32
      %dma_start3A_48 = arith.constant 0 : i32
      %dma_start3A_49 = arith.constant 0 : i32
      %dma_start3A_50 = tpu.memref_slice %arg3[%add3A, %dma_start3A, %dma_start3A_48, %dma_start3A_49] : memref<32x87x2x128xi32, #tpu.memory_space<hbm>> -> memref<1x87x2x128xi32, #tpu.memory_space<hbm>>
      %dma_start3A_51 = tpu.memref_squeeze %dma_start3A_50 : memref<1x87x2x128xi32, #tpu.memory_space<hbm>> -> memref<87x2x128xi32, #tpu.memory_space<hbm>>
      %dma_start3A_52 = arith.constant 0 : i32
      %dma_start3A_53 = arith.constant 0 : i32
      %dma_start3A_54 = arith.constant 0 : i32
      %dma_start3A_55 = tpu.memref_slice %arg3[%add3A, %dma_start3A_52, %dma_start3A_53, %dma_start3A_54] : memref<32x87x2x128xi32, #tpu.memory_space<hbm>> -> memref<1x87x2x128xi32, #tpu.memory_space<hbm>>
      %dma_start3A_56 = tpu.memref_squeeze %dma_start3A_55 : memref<1x87x2x128xi32, #tpu.memory_space<hbm>> -> memref<87x2x128xi32, #tpu.memory_space<hbm>>
      tpu.enqueue_dma source(%dma_start3A_56 : memref<87x2x128xi32, #tpu.memory_space<hbm>>) target(%arg5 : memref<87x2x128xi32, #tpu.memory_space<vmem>>) target_semaphore(%run_scoped3A : memref<!tpu.dma_semaphore, #tpu.memory_space<semaphore_mem>>)
      %dma_wait3A = arith.constant 0 : i32
      %dma_wait3A_57 = arith.constant 0 : i32
      %dma_wait3A_58 = arith.constant 0 : i32
      %dma_wait3A_59 = tpu.memref_slice %arg3[%add3A, %dma_wait3A, %dma_wait3A_57, %dma_wait3A_58] : memref<32x87x2x128xi32, #tpu.memory_space<hbm>> -> memref<1x87x2x128xi32, #tpu.memory_space<hbm>>
      %dma_wait3A_60 = tpu.memref_squeeze %dma_wait3A_59 : memref<1x87x2x128xi32, #tpu.memory_space<hbm>> -> memref<87x2x128xi32, #tpu.memory_space<hbm>>
      %dma_wait3A_61 = arith.constant 0 : i32
      %dma_wait3A_62 = arith.constant 0 : i32
      %dma_wait3A_63 = arith.constant 0 : i32
      %dma_wait3A_64 = tpu.memref_slice %arg3[%add3A, %dma_wait3A_61, %dma_wait3A_62, %dma_wait3A_63] : memref<32x87x2x128xi32, #tpu.memory_space<hbm>> -> memref<1x87x2x128xi32, #tpu.memory_space<hbm>>
      %dma_wait3A_65 = tpu.memref_squeeze %dma_wait3A_64 : memref<1x87x2x128xi32, #tpu.memory_space<hbm>> -> memref<87x2x128xi32, #tpu.memory_space<hbm>>
      tpu.wait_dma2 semaphore(%run_scoped3A : memref<!tpu.dma_semaphore, #tpu.memory_space<semaphore_mem>>) src(%dma_wait3A_65 : memref<87x2x128xi32, #tpu.memory_space<hbm>>) dst(%arg5 : memref<87x2x128xi32, #tpu.memory_space<vmem>>)
      tpu.yield
    }) : () -> ()
    %sub3A = arith.constant 0 : i32
    %sub3A_27 = arith.subi %select_n3A, %sub3A : i32
    %sub3A_28 = arith.constant 1 : i32
    %sub3A_29 = arith.constant 1 : i32
    %sub3A_30 = arith.subi %sub3A_28, %sub3A_29 : i32
    %add3A_31 = arith.addi %sub3A_27, %sub3A_30 : i32
    %div3A = arith.constant 1 : i32
    %div3A_32 = arith.divsi %add3A_31, %div3A : i32
    %while3A = arith.constant 1 : i32
    %while3A_33 = arith.constant 0 : i32
    %while3A_34 = arith.constant 0 : i32
    %while3A_35 = arith.subi %div3A_32, %while3A_34 : i32
    %while3A_36 = arith.addi %while3A_34, %while3A_35 : i32
    %while3A_37 = arith.constant 1 : i32
    %while3A_38 = arith.divsi %while3A_35, %while3A_37 : i32
    %while3A_39 = arith.muli %while3A_38, %while3A_37 : i32
    %while3A_40 = arith.addi %while3A_34, %while3A_39 : i32
    %while3A_41 = arith.constant 1 : i32
    scf.for %while3A_48 = %while3A_34 to %while3A_40 step %while3A_41  : i32 {
      %mul3A_49 = arith.muli %while3A_48, %while3A : i32
      %add3A_50 = arith.addi %while3A_33, %mul3A_49 : i32
      %dma_start3A = arith.constant 0 : i32
      %dma_start3A_51 = arith.constant 0 : i32
      %dma_start3A_52 = tpu.memref_slice %arg5[%add3A_50, %dma_start3A, %dma_start3A_51] : memref<87x2x128xi32, #tpu.memory_space<vmem>> -> memref<1x1x128xi32, #tpu.memory_space<vmem>>
      %dma_start3A_53 = tpu.memref_squeeze %dma_start3A_52 : memref<1x1x128xi32, #tpu.memory_space<vmem>> -> memref<128xi32, #tpu.memory_space<vmem>>
      %dma_start3A_54 = arith.constant 0 : i32
      %dma_start3A_55 = arith.constant 0 : i32
      %dma_start3A_56 = tpu.memref_slice %arg2[%dma_start3A_54, %dma_start3A_55] : memref<10240x64xf32, #tpu.memory_space<hbm>> -> memref<10240x64xf32, #tpu.memory_space<hbm>>
      tpu.enqueue_indirect_dma source(%dma_start3A_56 : memref<10240x64xf32, #tpu.memory_space<hbm>>) target(%arg6 : memref<128x64xf32, #tpu.memory_space<vmem>>) offsets(%dma_start3A_53 : memref<128xi32, #tpu.memory_space<vmem>>) semaphore(%arg8 : memref<!tpu.dma_semaphore, #tpu.memory_space<semaphore_mem>>)
      %dma_wait3A = arith.constant 0 : i32
      %dma_wait3A_57 = arith.constant 0 : i32
      %dma_wait3A_58 = tpu.memref_slice %arg5[%add3A_50, %dma_wait3A, %dma_wait3A_57] : memref<87x2x128xi32, #tpu.memory_space<vmem>> -> memref<1x1x128xi32, #tpu.memory_space<vmem>>
      %dma_wait3A_59 = tpu.memref_squeeze %dma_wait3A_58 : memref<1x1x128xi32, #tpu.memory_space<vmem>> -> memref<128xi32, #tpu.memory_space<vmem>>
      %dma_wait3A_60 = arith.constant 0 : i32
      %dma_wait3A_61 = arith.constant 0 : i32
      %dma_wait3A_62 = tpu.memref_slice %arg2[%dma_wait3A_60, %dma_wait3A_61] : memref<10240x64xf32, #tpu.memory_space<hbm>> -> memref<10240x64xf32, #tpu.memory_space<hbm>>
      tpu.wait_indirect_dma semaphore(%arg8 : memref<!tpu.dma_semaphore, #tpu.memory_space<semaphore_mem>>) src(%dma_wait3A_62 : memref<10240x64xf32, #tpu.memory_space<hbm>>) dst(%arg6 : memref<128x64xf32, #tpu.memory_space<vmem>>)
      %run_scoped3A = arith.constant 1 : i32
      "tpu.region"() ({
        %run_scoped3A_63 = tpu.sem_alloc : memref<!tpu.dma_semaphore, #tpu.memory_space<semaphore_mem>>
        %dma_start3A_64 = arith.constant 0 : i32
        %dma_start3A_65 = tpu.memref_slice %arg5[%add3A_50, %run_scoped3A, %dma_start3A_64] : memref<87x2x128xi32, #tpu.memory_space<vmem>> -> memref<1x1x128xi32, #tpu.memory_space<vmem>>
        %dma_start3A_66 = tpu.memref_squeeze %dma_start3A_65 : memref<1x1x128xi32, #tpu.memory_space<vmem>> -> memref<128xi32, #tpu.memory_space<vmem>>
        %dma_start3A_67 = arith.constant 0 : i32
        %dma_start3A_68 = arith.constant 0 : i32
        %dma_start3A_69 = tpu.memref_slice %arg7[%dma_start3A_67, %dma_start3A_68] : memref<10240x64xf32, #tpu.memory_space<vmem_shared>> -> memref<10240x64xf32, #tpu.memory_space<vmem_shared>>
        tpu.enqueue_indirect_dma source(%arg6 : memref<128x64xf32, #tpu.memory_space<vmem>>) target(%dma_start3A_69 : memref<10240x64xf32, #tpu.memory_space<vmem_shared>>) offsets(%dma_start3A_66 : memref<128xi32, #tpu.memory_space<vmem>>) semaphore(%run_scoped3A_63 : memref<!tpu.dma_semaphore, #tpu.memory_space<semaphore_mem>>) {add = true}
        %dma_wait3A_70 = arith.constant 0 : i32
        %dma_wait3A_71 = tpu.memref_slice %arg5[%add3A_50, %run_scoped3A, %dma_wait3A_70] : memref<87x2x128xi32, #tpu.memory_space<vmem>> -> memref<1x1x128xi32, #tpu.memory_space<vmem>>
        %dma_wait3A_72 = tpu.memref_squeeze %dma_wait3A_71 : memref<1x1x128xi32, #tpu.memory_space<vmem>> -> memref<128xi32, #tpu.memory_space<vmem>>
        %dma_wait3A_73 = arith.constant 0 : i32
        %dma_wait3A_74 = arith.constant 0 : i32
        %dma_wait3A_75 = tpu.memref_slice %arg7[%dma_wait3A_73, %dma_wait3A_74] : memref<10240x64xf32, #tpu.memory_space<vmem_shared>> -> memref<10240x64xf32, #tpu.memory_space<vmem_shared>>
        tpu.wait_indirect_dma semaphore(%run_scoped3A_63 : memref<!tpu.dma_semaphore, #tpu.memory_space<semaphore_mem>>) src(%arg6 : memref<128x64xf32, #tpu.memory_space<vmem>>) dst(%dma_wait3A_75 : memref<10240x64xf32, #tpu.memory_space<vmem_shared>>)
        tpu.yield
      }) : () -> ()
    }
    %while3A_42 = arith.constant 1 : i32
    scf.for %while3A_48 = %while3A_40 to %while3A_36 step %while3A_42  : i32 {
      %mul3A_49 = arith.muli %while3A_48, %while3A : i32
      %add3A_50 = arith.addi %while3A_33, %mul3A_49 : i32
      %dma_start3A = arith.constant 0 : i32
      %dma_start3A_51 = arith.constant 0 : i32
      %dma_start3A_52 = tpu.memref_slice %arg5[%add3A_50, %dma_start3A, %dma_start3A_51] : memref<87x2x128xi32, #tpu.memory_space<vmem>> -> memref<1x1x128xi32, #tpu.memory_space<vmem>>
      %dma_start3A_53 = tpu.memref_squeeze %dma_start3A_52 : memref<1x1x128xi32, #tpu.memory_space<vmem>> -> memref<128xi32, #tpu.memory_space<vmem>>
      %dma_start3A_54 = arith.constant 0 : i32
      %dma_start3A_55 = arith.constant 0 : i32
      %dma_start3A_56 = tpu.memref_slice %arg2[%dma_start3A_54, %dma_start3A_55] : memref<10240x64xf32, #tpu.memory_space<hbm>> -> memref<10240x64xf32, #tpu.memory_space<hbm>>
      tpu.enqueue_indirect_dma source(%dma_start3A_56 : memref<10240x64xf32, #tpu.memory_space<hbm>>) target(%arg6 : memref<128x64xf32, #tpu.memory_space<vmem>>) offsets(%dma_start3A_53 : memref<128xi32, #tpu.memory_space<vmem>>) semaphore(%arg8 : memref<!tpu.dma_semaphore, #tpu.memory_space<semaphore_mem>>)
      %dma_wait3A = arith.constant 0 : i32
      %dma_wait3A_57 = arith.constant 0 : i32
      %dma_wait3A_58 = tpu.memref_slice %arg5[%add3A_50, %dma_wait3A, %dma_wait3A_57] : memref<87x2x128xi32, #tpu.memory_space<vmem>> -> memref<1x1x128xi32, #tpu.memory_space<vmem>>
      %dma_wait3A_59 = tpu.memref_squeeze %dma_wait3A_58 : memref<1x1x128xi32, #tpu.memory_space<vmem>> -> memref<128xi32, #tpu.memory_space<vmem>>
      %dma_wait3A_60 = arith.constant 0 : i32
      %dma_wait3A_61 = arith.constant 0 : i32
      %dma_wait3A_62 = tpu.memref_slice %arg2[%dma_wait3A_60, %dma_wait3A_61] : memref<10240x64xf32, #tpu.memory_space<hbm>> -> memref<10240x64xf32, #tpu.memory_space<hbm>>
      tpu.wait_indirect_dma semaphore(%arg8 : memref<!tpu.dma_semaphore, #tpu.memory_space<semaphore_mem>>) src(%dma_wait3A_62 : memref<10240x64xf32, #tpu.memory_space<hbm>>) dst(%arg6 : memref<128x64xf32, #tpu.memory_space<vmem>>)
      %run_scoped3A = arith.constant 1 : i32
      "tpu.region"() ({
        %run_scoped3A_63 = tpu.sem_alloc : memref<!tpu.dma_semaphore, #tpu.memory_space<semaphore_mem>>
        %dma_start3A_64 = arith.constant 0 : i32
        %dma_start3A_65 = tpu.memref_slice %arg5[%add3A_50, %run_scoped3A, %dma_start3A_64] : memref<87x2x128xi32, #tpu.memory_space<vmem>> -> memref<1x1x128xi32, #tpu.memory_space<vmem>>
        %dma_start3A_66 = tpu.memref_squeeze %dma_start3A_65 : memref<1x1x128xi32, #tpu.memory_space<vmem>> -> memref<128xi32, #tpu.memory_space<vmem>>
        %dma_start3A_67 = arith.constant 0 : i32
        %dma_start3A_68 = arith.constant 0 : i32
        %dma_start3A_69 = tpu.memref_slice %arg7[%dma_start3A_67, %dma_start3A_68] : memref<10240x64xf32, #tpu.memory_space<vmem_shared>> -> memref<10240x64xf32, #tpu.memory_space<vmem_shared>>
        tpu.enqueue_indirect_dma source(%arg6 : memref<128x64xf32, #tpu.memory_space<vmem>>) target(%dma_start3A_69 : memref<10240x64xf32, #tpu.memory_space<vmem_shared>>) offsets(%dma_start3A_66 : memref<128xi32, #tpu.memory_space<vmem>>) semaphore(%run_scoped3A_63 : memref<!tpu.dma_semaphore, #tpu.memory_space<semaphore_mem>>) {add = true}
        %dma_wait3A_70 = arith.constant 0 : i32
        %dma_wait3A_71 = tpu.memref_slice %arg5[%add3A_50, %run_scoped3A, %dma_wait3A_70] : memref<87x2x128xi32, #tpu.memory_space<vmem>> -> memref<1x1x128xi32, #tpu.memory_space<vmem>>
        %dma_wait3A_72 = tpu.memref_squeeze %dma_wait3A_71 : memref<1x1x128xi32, #tpu.memory_space<vmem>> -> memref<128xi32, #tpu.memory_space<vmem>>
        %dma_wait3A_73 = arith.constant 0 : i32
        %dma_wait3A_74 = arith.constant 0 : i32
        %dma_wait3A_75 = tpu.memref_slice %arg7[%dma_wait3A_73, %dma_wait3A_74] : memref<10240x64xf32, #tpu.memory_space<vmem_shared>> -> memref<10240x64xf32, #tpu.memory_space<vmem_shared>>
        tpu.wait_indirect_dma semaphore(%run_scoped3A_63 : memref<!tpu.dma_semaphore, #tpu.memory_space<semaphore_mem>>) src(%arg6 : memref<128x64xf32, #tpu.memory_space<vmem>>) dst(%dma_wait3A_75 : memref<10240x64xf32, #tpu.memory_space<vmem_shared>>)
        tpu.yield
      }) : () -> ()
    }
    %barrier3A_43 = arith.constant 0 : index
    tpu.barrier barrier_id(%barrier3A_43)
    %mul3A_44 = arith.constant 640 : i32
    %mul3A_45 = arith.muli %arg1, %mul3A_44 : i32
    %mul3A_46 = arith.constant 640 : i32
    %mul3A_47 = arith.muli %arg1, %mul3A_46 : i32
    "tpu.region"() ({
      %run_scoped3A = tpu.sem_alloc : memref<!tpu.dma_semaphore, #tpu.memory_space<semaphore_mem>>
      %dma_start3A = arith.constant 0 : i32
      %dma_start3A_48 = tpu.memref_slice %arg4[%arg0, %mul3A_47, %dma_start3A] : memref<2x10240x64xf32, #tpu.memory_space<hbm>> -> memref<1x640x64xf32, #tpu.memory_space<hbm>>
      %dma_start3A_49 = tpu.memref_squeeze %dma_start3A_48 : memref<1x640x64xf32, #tpu.memory_space<hbm>> -> memref<640x64xf32, #tpu.memory_space<hbm>>
      %dma_start3A_50 = arith.constant 0 : i32
      %dma_start3A_51 = tpu.memref_slice %arg7[%mul3A_45, %dma_start3A_50] : memref<10240x64xf32, #tpu.memory_space<vmem_shared>> -> memref<640x64xf32, #tpu.memory_space<vmem_shared>>
      tpu.enqueue_dma source(%dma_start3A_51 : memref<640x64xf32, #tpu.memory_space<vmem_shared>>) target(%dma_start3A_49 : memref<640x64xf32, #tpu.memory_space<hbm>>) target_semaphore(%run_scoped3A : memref<!tpu.dma_semaphore, #tpu.memory_space<semaphore_mem>>)
      %dma_wait3A = arith.constant 0 : i32
      %dma_wait3A_52 = tpu.memref_slice %arg4[%arg0, %mul3A_47, %dma_wait3A] : memref<2x10240x64xf32, #tpu.memory_space<hbm>> -> memref<1x640x64xf32, #tpu.memory_space<hbm>>
      %dma_wait3A_53 = tpu.memref_squeeze %dma_wait3A_52 : memref<1x640x64xf32, #tpu.memory_space<hbm>> -> memref<640x64xf32, #tpu.memory_space<hbm>>
      %dma_wait3A_54 = arith.constant 0 : i32
      %dma_wait3A_55 = tpu.memref_slice %arg7[%mul3A_45, %dma_wait3A_54] : memref<10240x64xf32, #tpu.memory_space<vmem_shared>> -> memref<640x64xf32, #tpu.memory_space<vmem_shared>>
      tpu.wait_dma2 semaphore(%run_scoped3A : memref<!tpu.dma_semaphore, #tpu.memory_space<semaphore_mem>>) src(%dma_wait3A_55 : memref<640x64xf32, #tpu.memory_space<vmem_shared>>) dst(%dma_wait3A_53 : memref<640x64xf32, #tpu.memory_space<hbm>>)
      tpu.yield
    }) : () -> ()
    return
  }
}

#map = affine_map<(d0, d1) -> (0, 0, 0, 0)>
#map1 = affine_map<(d0, d1) -> (0, 0, 0)>
module attributes {stable_mosaic.version = 14 : i64} {
  func.func @k(%arg0: i32, %arg1: i32, %arg2: memref<2x16x157x128xi32, #tpu.memory_space<hbm>>, %arg3: memref<2x10240x16xf32, #tpu.memory_space<hbm>>, %arg4: memref<157x128xi32, #tpu.memory_space<vmem>>, %arg5: memref<128x16xf32, #tpu.memory_space<vmem>>, %arg6: memref<10240x16xf32, #tpu.memory_space<vmem_shared>>) attributes {dimension_semantics = [#tpu.dimension_semantics<core_parallel>, #tpu.dimension_semantics<subcore_parallel>], iteration_bounds = array<i64: 2, 16>, scalar_prefetch = 0 : i64, scratch_operands = 3 : i64, tpu.core_type = #tpu.core_type<sc_vector_subcore>, window_params = [{transform_indices = #map}, {transform_indices = #map1}]} {
    %scan3A = arith.constant 0 : i32
    %scan3A_0 = arith.constant 128 : i32
    %scan3A_1 = arith.addi %scan3A, %scan3A_0 : i32
    %scan3A_2 = arith.constant 1 : i32
    scf.for %scan3A_37 = %scan3A to %scan3A_1 step %scan3A_2  : i32 {
      %mul3A_38 = arith.constant 1 : i32
      %mul3A_39 = arith.muli %scan3A_37, %mul3A_38 : i32
      %add3A_40 = arith.constant 0 : i32
      %add3A_41 = arith.addi %add3A_40, %mul3A_39 : i32
      %broadcast_in_dim3A = arith.constant 0.000000e+00 : f32
      %broadcast_in_dim3A_42 = vector.broadcast %broadcast_in_dim3A : f32 to vector<16xf32>
      %swap3A = arith.index_cast %add3A_41 : i32 to index
      %swap3A_43 = arith.constant 0 : index
      %swap3A_44 = tpu.vector_load %arg5[%swap3A, %swap3A_43] {strides = array<i32>} : memref<128x16xf32, #tpu.memory_space<vmem>>, vector<1x16xf32>,
      %swap3A_45 = vector.shape_cast %swap3A_44 : vector<1x16xf32> to vector<16xf32>
      %swap3A_46 = vector.shape_cast %broadcast_in_dim3A_42 : vector<16xf32> to vector<1x16xf32>
      tpu.vector_store %arg5[%swap3A, %swap3A_43], %swap3A_46 {strides = array<i32>} : memref<128x16xf32, #tpu.memory_space<vmem>>, vector<1x16xf32>,
    }
    %scan3A_3 = arith.constant 128 : i32
    %mul3A = arith.constant 640 : i32
    %mul3A_4 = arith.muli %arg1, %mul3A : i32
    %add3A = arith.constant 0 : i32
    %add3A_5 = arith.addi %mul3A_4, %add3A : i32
    "tpu.region"() ({
      %run_scoped3A = tpu.sem_alloc : memref<!tpu.dma_semaphore, #tpu.memory_space<semaphore_mem>>
      %dma_start3A = arith.constant 0 : i32
      %dma_start3A_37 = tpu.memref_slice %arg6[%add3A_5, %dma_start3A] : memref<10240x16xf32, #tpu.memory_space<vmem_shared>> -> memref<128x16xf32, #tpu.memory_space<vmem_shared>>
      %dma_start3A_38 = arith.constant 0 : i32
      %dma_start3A_39 = tpu.memref_slice %arg6[%add3A_5, %dma_start3A_38] : memref<10240x16xf32, #tpu.memory_space<vmem_shared>> -> memref<128x16xf32, #tpu.memory_space<vmem_shared>>
      tpu.enqueue_dma source(%arg5 : memref<128x16xf32, #tpu.memory_space<vmem>>) target(%dma_start3A_39 : memref<128x16xf32, #tpu.memory_space<vmem_shared>>) target_semaphore(%run_scoped3A : memref<!tpu.dma_semaphore, #tpu.memory_space<semaphore_mem>>)
      %dma_wait3A = arith.constant 0 : i32
      %dma_wait3A_40 = tpu.memref_slice %arg6[%add3A_5, %dma_wait3A] : memref<10240x16xf32, #tpu.memory_space<vmem_shared>> -> memref<128x16xf32, #tpu.memory_space<vmem_shared>>
      %dma_wait3A_41 = arith.constant 0 : i32
      %dma_wait3A_42 = tpu.memref_slice %arg6[%add3A_5, %dma_wait3A_41] : memref<10240x16xf32, #tpu.memory_space<vmem_shared>> -> memref<128x16xf32, #tpu.memory_space<vmem_shared>>
      tpu.wait_dma2 semaphore(%run_scoped3A : memref<!tpu.dma_semaphore, #tpu.memory_space<semaphore_mem>>) src(%arg5 : memref<128x16xf32, #tpu.memory_space<vmem>>) dst(%dma_wait3A_42 : memref<128x16xf32, #tpu.memory_space<vmem_shared>>)
      tpu.yield
    }) : () -> ()
    %mul3A_6 = arith.constant 640 : i32
    %mul3A_7 = arith.muli %arg1, %mul3A_6 : i32
    %add3A_8 = arith.constant 128 : i32
    %add3A_9 = arith.addi %mul3A_7, %add3A_8 : i32
    "tpu.region"() ({
      %run_scoped3A = tpu.sem_alloc : memref<!tpu.dma_semaphore, #tpu.memory_space<semaphore_mem>>
      %dma_start3A = arith.constant 0 : i32
      %dma_start3A_37 = tpu.memref_slice %arg6[%add3A_9, %dma_start3A] : memref<10240x16xf32, #tpu.memory_space<vmem_shared>> -> memref<128x16xf32, #tpu.memory_space<vmem_shared>>
      %dma_start3A_38 = arith.constant 0 : i32
      %dma_start3A_39 = tpu.memref_slice %arg6[%add3A_9, %dma_start3A_38] : memref<10240x16xf32, #tpu.memory_space<vmem_shared>> -> memref<128x16xf32, #tpu.memory_space<vmem_shared>>
      tpu.enqueue_dma source(%arg5 : memref<128x16xf32, #tpu.memory_space<vmem>>) target(%dma_start3A_39 : memref<128x16xf32, #tpu.memory_space<vmem_shared>>) target_semaphore(%run_scoped3A : memref<!tpu.dma_semaphore, #tpu.memory_space<semaphore_mem>>)
      %dma_wait3A = arith.constant 0 : i32
      %dma_wait3A_40 = tpu.memref_slice %arg6[%add3A_9, %dma_wait3A] : memref<10240x16xf32, #tpu.memory_space<vmem_shared>> -> memref<128x16xf32, #tpu.memory_space<vmem_shared>>
      %dma_wait3A_41 = arith.constant 0 : i32
      %dma_wait3A_42 = tpu.memref_slice %arg6[%add3A_9, %dma_wait3A_41] : memref<10240x16xf32, #tpu.memory_space<vmem_shared>> -> memref<128x16xf32, #tpu.memory_space<vmem_shared>>
      tpu.wait_dma2 semaphore(%run_scoped3A : memref<!tpu.dma_semaphore, #tpu.memory_space<semaphore_mem>>) src(%arg5 : memref<128x16xf32, #tpu.memory_space<vmem>>) dst(%dma_wait3A_42 : memref<128x16xf32, #tpu.memory_space<vmem_shared>>)
      tpu.yield
    }) : () -> ()
    %mul3A_10 = arith.constant 640 : i32
    %mul3A_11 = arith.muli %arg1, %mul3A_10 : i32
    %add3A_12 = arith.constant 256 : i32
    %add3A_13 = arith.addi %mul3A_11, %add3A_12 : i32
    "tpu.region"() ({
      %run_scoped3A = tpu.sem_alloc : memref<!tpu.dma_semaphore, #tpu.memory_space<semaphore_mem>>
      %dma_start3A = arith.constant 0 : i32
      %dma_start3A_37 = tpu.memref_slice %arg6[%add3A_13, %dma_start3A] : memref<10240x16xf32, #tpu.memory_space<vmem_shared>> -> memref<128x16xf32, #tpu.memory_space<vmem_shared>>
      %dma_start3A_38 = arith.constant 0 : i32
      %dma_start3A_39 = tpu.memref_slice %arg6[%add3A_13, %dma_start3A_38] : memref<10240x16xf32, #tpu.memory_space<vmem_shared>> -> memref<128x16xf32, #tpu.memory_space<vmem_shared>>
      tpu.enqueue_dma source(%arg5 : memref<128x16xf32, #tpu.memory_space<vmem>>) target(%dma_start3A_39 : memref<128x16xf32, #tpu.memory_space<vmem_shared>>) target_semaphore(%run_scoped3A : memref<!tpu.dma_semaphore, #tpu.memory_space<semaphore_mem>>)
      %dma_wait3A = arith.constant 0 : i32
      %dma_wait3A_40 = tpu.memref_slice %arg6[%add3A_13, %dma_wait3A] : memref<10240x16xf32, #tpu.memory_space<vmem_shared>> -> memref<128x16xf32, #tpu.memory_space<vmem_shared>>
      %dma_wait3A_41 = arith.constant 0 : i32
      %dma_wait3A_42 = tpu.memref_slice %arg6[%add3A_13, %dma_wait3A_41] : memref<10240x16xf32, #tpu.memory_space<vmem_shared>> -> memref<128x16xf32, #tpu.memory_space<vmem_shared>>
      tpu.wait_dma2 semaphore(%run_scoped3A : memref<!tpu.dma_semaphore, #tpu.memory_space<semaphore_mem>>) src(%arg5 : memref<128x16xf32, #tpu.memory_space<vmem>>) dst(%dma_wait3A_42 : memref<128x16xf32, #tpu.memory_space<vmem_shared>>)
      tpu.yield
    }) : () -> ()
    %mul3A_14 = arith.constant 640 : i32
    %mul3A_15 = arith.muli %arg1, %mul3A_14 : i32
    %add3A_16 = arith.constant 384 : i32
    %add3A_17 = arith.addi %mul3A_15, %add3A_16 : i32
    "tpu.region"() ({
      %run_scoped3A = tpu.sem_alloc : memref<!tpu.dma_semaphore, #tpu.memory_space<semaphore_mem>>
      %dma_start3A = arith.constant 0 : i32
      %dma_start3A_37 = tpu.memref_slice %arg6[%add3A_17, %dma_start3A] : memref<10240x16xf32, #tpu.memory_space<vmem_shared>> -> memref<128x16xf32, #tpu.memory_space<vmem_shared>>
      %dma_start3A_38 = arith.constant 0 : i32
      %dma_start3A_39 = tpu.memref_slice %arg6[%add3A_17, %dma_start3A_38] : memref<10240x16xf32, #tpu.memory_space<vmem_shared>> -> memref<128x16xf32, #tpu.memory_space<vmem_shared>>
      tpu.enqueue_dma source(%arg5 : memref<128x16xf32, #tpu.memory_space<vmem>>) target(%dma_start3A_39 : memref<128x16xf32, #tpu.memory_space<vmem_shared>>) target_semaphore(%run_scoped3A : memref<!tpu.dma_semaphore, #tpu.memory_space<semaphore_mem>>)
      %dma_wait3A = arith.constant 0 : i32
      %dma_wait3A_40 = tpu.memref_slice %arg6[%add3A_17, %dma_wait3A] : memref<10240x16xf32, #tpu.memory_space<vmem_shared>> -> memref<128x16xf32, #tpu.memory_space<vmem_shared>>
      %dma_wait3A_41 = arith.constant 0 : i32
      %dma_wait3A_42 = tpu.memref_slice %arg6[%add3A_17, %dma_wait3A_41] : memref<10240x16xf32, #tpu.memory_space<vmem_shared>> -> memref<128x16xf32, #tpu.memory_space<vmem_shared>>
      tpu.wait_dma2 semaphore(%run_scoped3A : memref<!tpu.dma_semaphore, #tpu.memory_space<semaphore_mem>>) src(%arg5 : memref<128x16xf32, #tpu.memory_space<vmem>>) dst(%dma_wait3A_42 : memref<128x16xf32, #tpu.memory_space<vmem_shared>>)
      tpu.yield
    }) : () -> ()
    %mul3A_18 = arith.constant 640 : i32
    %mul3A_19 = arith.muli %arg1, %mul3A_18 : i32
    %add3A_20 = arith.constant 512 : i32
    %add3A_21 = arith.addi %mul3A_19, %add3A_20 : i32
    "tpu.region"() ({
      %run_scoped3A = tpu.sem_alloc : memref<!tpu.dma_semaphore, #tpu.memory_space<semaphore_mem>>
      %dma_start3A = arith.constant 0 : i32
      %dma_start3A_37 = tpu.memref_slice %arg6[%add3A_21, %dma_start3A] : memref<10240x16xf32, #tpu.memory_space<vmem_shared>> -> memref<128x16xf32, #tpu.memory_space<vmem_shared>>
      %dma_start3A_38 = arith.constant 0 : i32
      %dma_start3A_39 = tpu.memref_slice %arg6[%add3A_21, %dma_start3A_38] : memref<10240x16xf32, #tpu.memory_space<vmem_shared>> -> memref<128x16xf32, #tpu.memory_space<vmem_shared>>
      tpu.enqueue_dma source(%arg5 : memref<128x16xf32, #tpu.memory_space<vmem>>) target(%dma_start3A_39 : memref<128x16xf32, #tpu.memory_space<vmem_shared>>) target_semaphore(%run_scoped3A : memref<!tpu.dma_semaphore, #tpu.memory_space<semaphore_mem>>)
      %dma_wait3A = arith.constant 0 : i32
      %dma_wait3A_40 = tpu.memref_slice %arg6[%add3A_21, %dma_wait3A] : memref<10240x16xf32, #tpu.memory_space<vmem_shared>> -> memref<128x16xf32, #tpu.memory_space<vmem_shared>>
      %dma_wait3A_41 = arith.constant 0 : i32
      %dma_wait3A_42 = tpu.memref_slice %arg6[%add3A_21, %dma_wait3A_41] : memref<10240x16xf32, #tpu.memory_space<vmem_shared>> -> memref<128x16xf32, #tpu.memory_space<vmem_shared>>
      tpu.wait_dma2 semaphore(%run_scoped3A : memref<!tpu.dma_semaphore, #tpu.memory_space<semaphore_mem>>) src(%arg5 : memref<128x16xf32, #tpu.memory_space<vmem>>) dst(%dma_wait3A_42 : memref<128x16xf32, #tpu.memory_space<vmem_shared>>)
      tpu.yield
    }) : () -> ()
    %barrier3A = arith.constant 0 : index
    tpu.barrier barrier_id(%barrier3A)
    %scan3A_22 = arith.constant 0 : i32
    %scan3A_23 = arith.constant 128 : i32
    %scan3A_24 = arith.addi %scan3A_22, %scan3A_23 : i32
    %scan3A_25 = arith.constant 1 : i32
    scf.for %scan3A_37 = %scan3A_22 to %scan3A_24 step %scan3A_25  : i32 {
      %mul3A_38 = arith.constant 1 : i32
      %mul3A_39 = arith.muli %scan3A_37, %mul3A_38 : i32
      %add3A_40 = arith.constant 0 : i32
      %add3A_41 = arith.addi %add3A_40, %mul3A_39 : i32
      %broadcast_in_dim3A = arith.constant 1.000000e+00 : f32
      %broadcast_in_dim3A_42 = vector.broadcast %broadcast_in_dim3A : f32 to vector<16xf32>
      %swap3A = arith.index_cast %add3A_41 : i32 to index
      %swap3A_43 = arith.constant 0 : index
      %swap3A_44 = tpu.vector_load %arg5[%swap3A, %swap3A_43] {strides = array<i32>} : memref<128x16xf32, #tpu.memory_space<vmem>>, vector<1x16xf32>,
      %swap3A_45 = vector.shape_cast %swap3A_44 : vector<1x16xf32> to vector<16xf32>
      %swap3A_46 = vector.shape_cast %broadcast_in_dim3A_42 : vector<16xf32> to vector<1x16xf32>
      tpu.vector_store %arg5[%swap3A, %swap3A_43], %swap3A_46 {strides = array<i32>} : memref<128x16xf32, #tpu.memory_space<vmem>>, vector<1x16xf32>,
    }
    %scan3A_26 = arith.constant 128 : i32
    "tpu.region"() ({
      %run_scoped3A = tpu.sem_alloc : memref<!tpu.dma_semaphore, #tpu.memory_space<semaphore_mem>>
      %dma_start3A = arith.constant 0 : i32
      %dma_start3A_37 = arith.constant 0 : i32
      %dma_start3A_38 = tpu.memref_slice %arg2[%arg0, %arg1, %dma_start3A, %dma_start3A_37] : memref<2x16x157x128xi32, #tpu.memory_space<hbm>> -> memref<1x1x157x128xi32, #tpu.memory_space<hbm>>
      %dma_start3A_39 = tpu.memref_squeeze %dma_start3A_38 : memref<1x1x157x128xi32, #tpu.memory_space<hbm>> -> memref<157x128xi32, #tpu.memory_space<hbm>>
      %dma_start3A_40 = arith.constant 0 : i32
      %dma_start3A_41 = arith.constant 0 : i32
      %dma_start3A_42 = tpu.memref_slice %arg2[%arg0, %arg1, %dma_start3A_40, %dma_start3A_41] : memref<2x16x157x128xi32, #tpu.memory_space<hbm>> -> memref<1x1x157x128xi32, #tpu.memory_space<hbm>>
      %dma_start3A_43 = tpu.memref_squeeze %dma_start3A_42 : memref<1x1x157x128xi32, #tpu.memory_space<hbm>> -> memref<157x128xi32, #tpu.memory_space<hbm>>
      tpu.enqueue_dma source(%dma_start3A_43 : memref<157x128xi32, #tpu.memory_space<hbm>>) target(%arg4 : memref<157x128xi32, #tpu.memory_space<vmem>>) target_semaphore(%run_scoped3A : memref<!tpu.dma_semaphore, #tpu.memory_space<semaphore_mem>>)
      %dma_wait3A = arith.constant 0 : i32
      %dma_wait3A_44 = arith.constant 0 : i32
      %dma_wait3A_45 = tpu.memref_slice %arg2[%arg0, %arg1, %dma_wait3A, %dma_wait3A_44] : memref<2x16x157x128xi32, #tpu.memory_space<hbm>> -> memref<1x1x157x128xi32, #tpu.memory_space<hbm>>
      %dma_wait3A_46 = tpu.memref_squeeze %dma_wait3A_45 : memref<1x1x157x128xi32, #tpu.memory_space<hbm>> -> memref<157x128xi32, #tpu.memory_space<hbm>>
      %dma_wait3A_47 = arith.constant 0 : i32
      %dma_wait3A_48 = arith.constant 0 : i32
      %dma_wait3A_49 = tpu.memref_slice %arg2[%arg0, %arg1, %dma_wait3A_47, %dma_wait3A_48] : memref<2x16x157x128xi32, #tpu.memory_space<hbm>> -> memref<1x1x157x128xi32, #tpu.memory_space<hbm>>
      %dma_wait3A_50 = tpu.memref_squeeze %dma_wait3A_49 : memref<1x1x157x128xi32, #tpu.memory_space<hbm>> -> memref<157x128xi32, #tpu.memory_space<hbm>>
      tpu.wait_dma2 semaphore(%run_scoped3A : memref<!tpu.dma_semaphore, #tpu.memory_space<semaphore_mem>>) src(%dma_wait3A_50 : memref<157x128xi32, #tpu.memory_space<hbm>>) dst(%arg4 : memref<157x128xi32, #tpu.memory_space<vmem>>)
      tpu.yield
    }) : () -> ()
    %scan3A_27 = arith.constant 0 : i32
    %scan3A_28 = arith.constant 157 : i32
    %scan3A_29 = arith.addi %scan3A_27, %scan3A_28 : i32
    %scan3A_30 = arith.constant 1 : i32
    scf.for %scan3A_37 = %scan3A_27 to %scan3A_29 step %scan3A_30  : i32 {
      %mul3A_38 = arith.constant 1 : i32
      %mul3A_39 = arith.muli %scan3A_37, %mul3A_38 : i32
      %add3A_40 = arith.constant 0 : i32
      %add3A_41 = arith.addi %add3A_40, %mul3A_39 : i32
      "tpu.region"() ({
        %run_scoped3A = tpu.sem_alloc : memref<!tpu.dma_semaphore, #tpu.memory_space<semaphore_mem>>
        %dma_start3A = arith.constant 0 : i32
        %dma_start3A_42 = tpu.memref_slice %arg4[%add3A_41, %dma_start3A] : memref<157x128xi32, #tpu.memory_space<vmem>> -> memref<1x128xi32, #tpu.memory_space<vmem>>
        %dma_start3A_43 = tpu.memref_squeeze %dma_start3A_42 : memref<1x128xi32, #tpu.memory_space<vmem>> -> memref<128xi32, #tpu.memory_space<vmem>>
        %dma_start3A_44 = arith.constant 0 : i32
        %dma_start3A_45 = arith.constant 0 : i32
        %dma_start3A_46 = tpu.memref_slice %arg6[%dma_start3A_44, %dma_start3A_45] : memref<10240x16xf32, #tpu.memory_space<vmem_shared>> -> memref<10240x16xf32, #tpu.memory_space<vmem_shared>>
        tpu.enqueue_indirect_dma source(%arg5 : memref<128x16xf32, #tpu.memory_space<vmem>>) target(%dma_start3A_46 : memref<10240x16xf32, #tpu.memory_space<vmem_shared>>) offsets(%dma_start3A_43 : memref<128xi32, #tpu.memory_space<vmem>>) semaphore(%run_scoped3A : memref<!tpu.dma_semaphore, #tpu.memory_space<semaphore_mem>>) {add = true}
        %dma_wait3A = arith.constant 0 : i32
        %dma_wait3A_47 = tpu.memref_slice %arg4[%add3A_41, %dma_wait3A] : memref<157x128xi32, #tpu.memory_space<vmem>> -> memref<1x128xi32, #tpu.memory_space<vmem>>
        %dma_wait3A_48 = tpu.memref_squeeze %dma_wait3A_47 : memref<1x128xi32, #tpu.memory_space<vmem>> -> memref<128xi32, #tpu.memory_space<vmem>>
        %dma_wait3A_49 = arith.constant 0 : i32
        %dma_wait3A_50 = arith.constant 0 : i32
        %dma_wait3A_51 = tpu.memref_slice %arg6[%dma_wait3A_49, %dma_wait3A_50] : memref<10240x16xf32, #tpu.memory_space<vmem_shared>> -> memref<10240x16xf32, #tpu.memory_space<vmem_shared>>
        tpu.wait_indirect_dma semaphore(%run_scoped3A : memref<!tpu.dma_semaphore, #tpu.memory_space<semaphore_mem>>) src(%arg5 : memref<128x16xf32, #tpu.memory_space<vmem>>) dst(%dma_wait3A_51 : memref<10240x16xf32, #tpu.memory_space<vmem_shared>>)
        tpu.yield
      }) : () -> ()
    }
    %scan3A_31 = arith.constant 157 : i32
    %barrier3A_32 = arith.constant 0 : index
    tpu.barrier barrier_id(%barrier3A_32)
    %mul3A_33 = arith.constant 640 : i32
    %mul3A_34 = arith.muli %arg1, %mul3A_33 : i32
    %mul3A_35 = arith.constant 640 : i32
    %mul3A_36 = arith.muli %arg1, %mul3A_35 : i32
    "tpu.region"() ({
      %run_scoped3A = tpu.sem_alloc : memref<!tpu.dma_semaphore, #tpu.memory_space<semaphore_mem>>
      %dma_start3A = arith.constant 0 : i32
      %dma_start3A_37 = tpu.memref_slice %arg3[%arg0, %mul3A_36, %dma_start3A] : memref<2x10240x16xf32, #tpu.memory_space<hbm>> -> memref<1x640x16xf32, #tpu.memory_space<hbm>>
      %dma_start3A_38 = tpu.memref_squeeze %dma_start3A_37 : memref<1x640x16xf32, #tpu.memory_space<hbm>> -> memref<640x16xf32, #tpu.memory_space<hbm>>
      %dma_start3A_39 = arith.constant 0 : i32
      %dma_start3A_40 = tpu.memref_slice %arg6[%mul3A_34, %dma_start3A_39] : memref<10240x16xf32, #tpu.memory_space<vmem_shared>> -> memref<640x16xf32, #tpu.memory_space<vmem_shared>>
      tpu.enqueue_dma source(%dma_start3A_40 : memref<640x16xf32, #tpu.memory_space<vmem_shared>>) target(%dma_start3A_38 : memref<640x16xf32, #tpu.memory_space<hbm>>) target_semaphore(%run_scoped3A : memref<!tpu.dma_semaphore, #tpu.memory_space<semaphore_mem>>)
      %dma_wait3A = arith.constant 0 : i32
      %dma_wait3A_41 = tpu.memref_slice %arg3[%arg0, %mul3A_36, %dma_wait3A] : memref<2x10240x16xf32, #tpu.memory_space<hbm>> -> memref<1x640x16xf32, #tpu.memory_space<hbm>>
      %dma_wait3A_42 = tpu.memref_squeeze %dma_wait3A_41 : memref<1x640x16xf32, #tpu.memory_space<hbm>> -> memref<640x16xf32, #tpu.memory_space<hbm>>
      %dma_wait3A_43 = arith.constant 0 : i32
      %dma_wait3A_44 = tpu.memref_slice %arg6[%mul3A_34, %dma_wait3A_43] : memref<10240x16xf32, #tpu.memory_space<vmem_shared>> -> memref<640x16xf32, #tpu.memory_space<vmem_shared>>
      tpu.wait_dma2 semaphore(%run_scoped3A : memref<!tpu.dma_semaphore, #tpu.memory_space<semaphore_mem>>) src(%dma_wait3A_44 : memref<640x16xf32, #tpu.memory_space<vmem_shared>>) dst(%dma_wait3A_42 : memref<640x16xf32, #tpu.memory_space<hbm>>)
      tpu.yield
    }) : () -> ()
    return
  }
}

#map = affine_map<(d0, d1) -> (0, 0)>
#map1 = affine_map<(d0, d1) -> (0, 0, 0, 0)>
#map2 = affine_map<(d0, d1) -> (0, 0, 0)>
module attributes {stable_mosaic.version = 14 : i64} {
  func.func @k(%arg0: i32, %arg1: i32, %arg2: memref<10240x128xf32, #tpu.memory_space<hbm>>, %arg3: memref<32x87x2x128xi32, #tpu.memory_space<hbm>>, %arg4: memref<2x10240x128xf32, #tpu.memory_space<hbm>>, %arg5: memref<87x2x128xi32, #tpu.memory_space<vmem>>, %arg6: memref<128x128xf32, #tpu.memory_space<vmem>>, %arg7: memref<10240x128xf32, #tpu.memory_space<vmem_shared>>, %arg8: memref<!tpu.dma_semaphore, #tpu.memory_space<semaphore_mem>>) attributes {dimension_semantics = [#tpu.dimension_semantics<core_parallel>, #tpu.dimension_semantics<subcore_parallel>], iteration_bounds = array<i64: 2, 16>, scalar_prefetch = 0 : i64, scratch_operands = 4 : i64, tpu.core_type = #tpu.core_type<sc_vector_subcore>, window_params = [{transform_indices = #map}, {transform_indices = #map1}, {transform_indices = #map2}]} {
    %mul3A = arith.constant 16 : i32
    %mul3A_0 = arith.muli %arg0, %mul3A : i32
    %add3A = arith.addi %mul3A_0, %arg1 : i32
    %eq3A = arith.constant 0 : i32
    %eq3A_1 = arith.cmpi eq, %arg0, %eq3A : i32
    %jit3A = arith.constant 87 : i32
    %jit3A_2 = arith.constant 70 : i32
    %select_n3A = arith.select %eq3A_1, %jit3A, %jit3A_2 : i32
    %scan3A = arith.constant 0 : i32
    %scan3A_3 = arith.constant 128 : i32
    %scan3A_4 = arith.addi %scan3A, %scan3A_3 : i32
    %scan3A_5 = arith.constant 1 : i32
    scf.for %scan3A_48 = %scan3A to %scan3A_4 step %scan3A_5  : i32 {
      %mul3A_49 = arith.constant 1 : i32
      %mul3A_50 = arith.muli %scan3A_48, %mul3A_49 : i32
      %add3A_51 = arith.constant 0 : i32
      %add3A_52 = arith.addi %add3A_51, %mul3A_50 : i32
      %scan3A_53 = arith.constant 0 : i32
      %scan3A_54 = arith.constant 8 : i32
      %scan3A_55 = arith.addi %scan3A_53, %scan3A_54 : i32
      %scan3A_56 = arith.constant 1 : i32
      scf.for %scan3A_58 = %scan3A_53 to %scan3A_55 step %scan3A_56  : i32 {
        %mul3A_59 = arith.constant 16 : i32
        %mul3A_60 = arith.muli %scan3A_58, %mul3A_59 : i32
        %add3A_61 = arith.constant 0 : i32
        %add3A_62 = arith.addi %add3A_61, %mul3A_60 : i32
        %broadcast_in_dim3A = arith.constant 0.000000e+00 : f32
        %broadcast_in_dim3A_63 = vector.broadcast %broadcast_in_dim3A : f32 to vector<16xf32>
        %swap3A = arith.index_cast %add3A_52 : i32 to index
        %swap3A_64 = arith.index_cast %add3A_62 : i32 to index
        %swap3A_65 = tpu.vector_load %arg6[%swap3A, %swap3A_64] {strides = array<i32>} : memref<128x128xf32, #tpu.memory_space<vmem>>, vector<1x16xf32>,
        %swap3A_66 = vector.shape_cast %swap3A_65 : vector<1x16xf32> to vector<16xf32>
        %swap3A_67 = vector.shape_cast %broadcast_in_dim3A_63 : vector<16xf32> to vector<1x16xf32>
        tpu.vector_store %arg6[%swap3A, %swap3A_64], %swap3A_67 {strides = array<i32>} : memref<128x128xf32, #tpu.memory_space<vmem>>, vector<1x16xf32>,
      }
      %scan3A_57 = arith.constant 8 : i32
    }
    %scan3A_6 = arith.constant 128 : i32
    %mul3A_7 = arith.constant 640 : i32
    %mul3A_8 = arith.muli %arg1, %mul3A_7 : i32
    %add3A_9 = arith.constant 0 : i32
    %add3A_10 = arith.addi %mul3A_8, %add3A_9 : i32
    "tpu.region"() ({
      %run_scoped3A = tpu.sem_alloc : memref<!tpu.dma_semaphore, #tpu.memory_space<semaphore_mem>>
      %dma_start3A = arith.constant 0 : i32
      %dma_start3A_48 = tpu.memref_slice %arg7[%add3A_10, %dma_start3A] : memref<10240x128xf32, #tpu.memory_space<vmem_shared>> -> memref<128x128xf32, #tpu.memory_space<vmem_shared>>
      %dma_start3A_49 = arith.constant 0 : i32
      %dma_start3A_50 = tpu.memref_slice %arg7[%add3A_10, %dma_start3A_49] : memref<10240x128xf32, #tpu.memory_space<vmem_shared>> -> memref<128x128xf32, #tpu.memory_space<vmem_shared>>
      tpu.enqueue_dma source(%arg6 : memref<128x128xf32, #tpu.memory_space<vmem>>) target(%dma_start3A_50 : memref<128x128xf32, #tpu.memory_space<vmem_shared>>) target_semaphore(%run_scoped3A : memref<!tpu.dma_semaphore, #tpu.memory_space<semaphore_mem>>)
      %dma_wait3A = arith.constant 0 : i32
      %dma_wait3A_51 = tpu.memref_slice %arg7[%add3A_10, %dma_wait3A] : memref<10240x128xf32, #tpu.memory_space<vmem_shared>> -> memref<128x128xf32, #tpu.memory_space<vmem_shared>>
      %dma_wait3A_52 = arith.constant 0 : i32
      %dma_wait3A_53 = tpu.memref_slice %arg7[%add3A_10, %dma_wait3A_52] : memref<10240x128xf32, #tpu.memory_space<vmem_shared>> -> memref<128x128xf32, #tpu.memory_space<vmem_shared>>
      tpu.wait_dma2 semaphore(%run_scoped3A : memref<!tpu.dma_semaphore, #tpu.memory_space<semaphore_mem>>) src(%arg6 : memref<128x128xf32, #tpu.memory_space<vmem>>) dst(%dma_wait3A_53 : memref<128x128xf32, #tpu.memory_space<vmem_shared>>)
      tpu.yield
    }) : () -> ()
    %mul3A_11 = arith.constant 640 : i32
    %mul3A_12 = arith.muli %arg1, %mul3A_11 : i32
    %add3A_13 = arith.constant 128 : i32
    %add3A_14 = arith.addi %mul3A_12, %add3A_13 : i32
    "tpu.region"() ({
      %run_scoped3A = tpu.sem_alloc : memref<!tpu.dma_semaphore, #tpu.memory_space<semaphore_mem>>
      %dma_start3A = arith.constant 0 : i32
      %dma_start3A_48 = tpu.memref_slice %arg7[%add3A_14, %dma_start3A] : memref<10240x128xf32, #tpu.memory_space<vmem_shared>> -> memref<128x128xf32, #tpu.memory_space<vmem_shared>>
      %dma_start3A_49 = arith.constant 0 : i32
      %dma_start3A_50 = tpu.memref_slice %arg7[%add3A_14, %dma_start3A_49] : memref<10240x128xf32, #tpu.memory_space<vmem_shared>> -> memref<128x128xf32, #tpu.memory_space<vmem_shared>>
      tpu.enqueue_dma source(%arg6 : memref<128x128xf32, #tpu.memory_space<vmem>>) target(%dma_start3A_50 : memref<128x128xf32, #tpu.memory_space<vmem_shared>>) target_semaphore(%run_scoped3A : memref<!tpu.dma_semaphore, #tpu.memory_space<semaphore_mem>>)
      %dma_wait3A = arith.constant 0 : i32
      %dma_wait3A_51 = tpu.memref_slice %arg7[%add3A_14, %dma_wait3A] : memref<10240x128xf32, #tpu.memory_space<vmem_shared>> -> memref<128x128xf32, #tpu.memory_space<vmem_shared>>
      %dma_wait3A_52 = arith.constant 0 : i32
      %dma_wait3A_53 = tpu.memref_slice %arg7[%add3A_14, %dma_wait3A_52] : memref<10240x128xf32, #tpu.memory_space<vmem_shared>> -> memref<128x128xf32, #tpu.memory_space<vmem_shared>>
      tpu.wait_dma2 semaphore(%run_scoped3A : memref<!tpu.dma_semaphore, #tpu.memory_space<semaphore_mem>>) src(%arg6 : memref<128x128xf32, #tpu.memory_space<vmem>>) dst(%dma_wait3A_53 : memref<128x128xf32, #tpu.memory_space<vmem_shared>>)
      tpu.yield
    }) : () -> ()
    %mul3A_15 = arith.constant 640 : i32
    %mul3A_16 = arith.muli %arg1, %mul3A_15 : i32
    %add3A_17 = arith.constant 256 : i32
    %add3A_18 = arith.addi %mul3A_16, %add3A_17 : i32
    "tpu.region"() ({
      %run_scoped3A = tpu.sem_alloc : memref<!tpu.dma_semaphore, #tpu.memory_space<semaphore_mem>>
      %dma_start3A = arith.constant 0 : i32
      %dma_start3A_48 = tpu.memref_slice %arg7[%add3A_18, %dma_start3A] : memref<10240x128xf32, #tpu.memory_space<vmem_shared>> -> memref<128x128xf32, #tpu.memory_space<vmem_shared>>
      %dma_start3A_49 = arith.constant 0 : i32
      %dma_start3A_50 = tpu.memref_slice %arg7[%add3A_18, %dma_start3A_49] : memref<10240x128xf32, #tpu.memory_space<vmem_shared>> -> memref<128x128xf32, #tpu.memory_space<vmem_shared>>
      tpu.enqueue_dma source(%arg6 : memref<128x128xf32, #tpu.memory_space<vmem>>) target(%dma_start3A_50 : memref<128x128xf32, #tpu.memory_space<vmem_shared>>) target_semaphore(%run_scoped3A : memref<!tpu.dma_semaphore, #tpu.memory_space<semaphore_mem>>)
      %dma_wait3A = arith.constant 0 : i32
      %dma_wait3A_51 = tpu.memref_slice %arg7[%add3A_18, %dma_wait3A] : memref<10240x128xf32, #tpu.memory_space<vmem_shared>> -> memref<128x128xf32, #tpu.memory_space<vmem_shared>>
      %dma_wait3A_52 = arith.constant 0 : i32
      %dma_wait3A_53 = tpu.memref_slice %arg7[%add3A_18, %dma_wait3A_52] : memref<10240x128xf32, #tpu.memory_space<vmem_shared>> -> memref<128x128xf32, #tpu.memory_space<vmem_shared>>
      tpu.wait_dma2 semaphore(%run_scoped3A : memref<!tpu.dma_semaphore, #tpu.memory_space<semaphore_mem>>) src(%arg6 : memref<128x128xf32, #tpu.memory_space<vmem>>) dst(%dma_wait3A_53 : memref<128x128xf32, #tpu.memory_space<vmem_shared>>)
      tpu.yield
    }) : () -> ()
    %mul3A_19 = arith.constant 640 : i32
    %mul3A_20 = arith.muli %arg1, %mul3A_19 : i32
    %add3A_21 = arith.constant 384 : i32
    %add3A_22 = arith.addi %mul3A_20, %add3A_21 : i32
    "tpu.region"() ({
      %run_scoped3A = tpu.sem_alloc : memref<!tpu.dma_semaphore, #tpu.memory_space<semaphore_mem>>
      %dma_start3A = arith.constant 0 : i32
      %dma_start3A_48 = tpu.memref_slice %arg7[%add3A_22, %dma_start3A] : memref<10240x128xf32, #tpu.memory_space<vmem_shared>> -> memref<128x128xf32, #tpu.memory_space<vmem_shared>>
      %dma_start3A_49 = arith.constant 0 : i32
      %dma_start3A_50 = tpu.memref_slice %arg7[%add3A_22, %dma_start3A_49] : memref<10240x128xf32, #tpu.memory_space<vmem_shared>> -> memref<128x128xf32, #tpu.memory_space<vmem_shared>>
      tpu.enqueue_dma source(%arg6 : memref<128x128xf32, #tpu.memory_space<vmem>>) target(%dma_start3A_50 : memref<128x128xf32, #tpu.memory_space<vmem_shared>>) target_semaphore(%run_scoped3A : memref<!tpu.dma_semaphore, #tpu.memory_space<semaphore_mem>>)
      %dma_wait3A = arith.constant 0 : i32
      %dma_wait3A_51 = tpu.memref_slice %arg7[%add3A_22, %dma_wait3A] : memref<10240x128xf32, #tpu.memory_space<vmem_shared>> -> memref<128x128xf32, #tpu.memory_space<vmem_shared>>
      %dma_wait3A_52 = arith.constant 0 : i32
      %dma_wait3A_53 = tpu.memref_slice %arg7[%add3A_22, %dma_wait3A_52] : memref<10240x128xf32, #tpu.memory_space<vmem_shared>> -> memref<128x128xf32, #tpu.memory_space<vmem_shared>>
      tpu.wait_dma2 semaphore(%run_scoped3A : memref<!tpu.dma_semaphore, #tpu.memory_space<semaphore_mem>>) src(%arg6 : memref<128x128xf32, #tpu.memory_space<vmem>>) dst(%dma_wait3A_53 : memref<128x128xf32, #tpu.memory_space<vmem_shared>>)
      tpu.yield
    }) : () -> ()
    %mul3A_23 = arith.constant 640 : i32
    %mul3A_24 = arith.muli %arg1, %mul3A_23 : i32
    %add3A_25 = arith.constant 512 : i32
    %add3A_26 = arith.addi %mul3A_24, %add3A_25 : i32
    "tpu.region"() ({
      %run_scoped3A = tpu.sem_alloc : memref<!tpu.dma_semaphore, #tpu.memory_space<semaphore_mem>>
      %dma_start3A = arith.constant 0 : i32
      %dma_start3A_48 = tpu.memref_slice %arg7[%add3A_26, %dma_start3A] : memref<10240x128xf32, #tpu.memory_space<vmem_shared>> -> memref<128x128xf32, #tpu.memory_space<vmem_shared>>
      %dma_start3A_49 = arith.constant 0 : i32
      %dma_start3A_50 = tpu.memref_slice %arg7[%add3A_26, %dma_start3A_49] : memref<10240x128xf32, #tpu.memory_space<vmem_shared>> -> memref<128x128xf32, #tpu.memory_space<vmem_shared>>
      tpu.enqueue_dma source(%arg6 : memref<128x128xf32, #tpu.memory_space<vmem>>) target(%dma_start3A_50 : memref<128x128xf32, #tpu.memory_space<vmem_shared>>) target_semaphore(%run_scoped3A : memref<!tpu.dma_semaphore, #tpu.memory_space<semaphore_mem>>)
      %dma_wait3A = arith.constant 0 : i32
      %dma_wait3A_51 = tpu.memref_slice %arg7[%add3A_26, %dma_wait3A] : memref<10240x128xf32, #tpu.memory_space<vmem_shared>> -> memref<128x128xf32, #tpu.memory_space<vmem_shared>>
      %dma_wait3A_52 = arith.constant 0 : i32
      %dma_wait3A_53 = tpu.memref_slice %arg7[%add3A_26, %dma_wait3A_52] : memref<10240x128xf32, #tpu.memory_space<vmem_shared>> -> memref<128x128xf32, #tpu.memory_space<vmem_shared>>
      tpu.wait_dma2 semaphore(%run_scoped3A : memref<!tpu.dma_semaphore, #tpu.memory_space<semaphore_mem>>) src(%arg6 : memref<128x128xf32, #tpu.memory_space<vmem>>) dst(%dma_wait3A_53 : memref<128x128xf32, #tpu.memory_space<vmem_shared>>)
      tpu.yield
    }) : () -> ()
    %barrier3A = arith.constant 0 : index
    tpu.barrier barrier_id(%barrier3A)
    "tpu.region"() ({
      %run_scoped3A = tpu.sem_alloc : memref<!tpu.dma_semaphore, #tpu.memory_space<semaphore_mem>>
      %dma_start3A = arith.constant 0 : i32
      %dma_start3A_48 = arith.constant 0 : i32
      %dma_start3A_49 = arith.constant 0 : i32
      %dma_start3A_50 = tpu.memref_slice %arg3[%add3A, %dma_start3A, %dma_start3A_48, %dma_start3A_49] : memref<32x87x2x128xi32, #tpu.memory_space<hbm>> -> memref<1x87x2x128xi32, #tpu.memory_space<hbm>>
      %dma_start3A_51 = tpu.memref_squeeze %dma_start3A_50 : memref<1x87x2x128xi32, #tpu.memory_space<hbm>> -> memref<87x2x128xi32, #tpu.memory_space<hbm>>
      %dma_start3A_52 = arith.constant 0 : i32
      %dma_start3A_53 = arith.constant 0 : i32
      %dma_start3A_54 = arith.constant 0 : i32
      %dma_start3A_55 = tpu.memref_slice %arg3[%add3A, %dma_start3A_52, %dma_start3A_53, %dma_start3A_54] : memref<32x87x2x128xi32, #tpu.memory_space<hbm>> -> memref<1x87x2x128xi32, #tpu.memory_space<hbm>>
      %dma_start3A_56 = tpu.memref_squeeze %dma_start3A_55 : memref<1x87x2x128xi32, #tpu.memory_space<hbm>> -> memref<87x2x128xi32, #tpu.memory_space<hbm>>
      tpu.enqueue_dma source(%dma_start3A_56 : memref<87x2x128xi32, #tpu.memory_space<hbm>>) target(%arg5 : memref<87x2x128xi32, #tpu.memory_space<vmem>>) target_semaphore(%run_scoped3A : memref<!tpu.dma_semaphore, #tpu.memory_space<semaphore_mem>>)
      %dma_wait3A = arith.constant 0 : i32
      %dma_wait3A_57 = arith.constant 0 : i32
      %dma_wait3A_58 = arith.constant 0 : i32
      %dma_wait3A_59 = tpu.memref_slice %arg3[%add3A, %dma_wait3A, %dma_wait3A_57, %dma_wait3A_58] : memref<32x87x2x128xi32, #tpu.memory_space<hbm>> -> memref<1x87x2x128xi32, #tpu.memory_space<hbm>>
      %dma_wait3A_60 = tpu.memref_squeeze %dma_wait3A_59 : memref<1x87x2x128xi32, #tpu.memory_space<hbm>> -> memref<87x2x128xi32, #tpu.memory_space<hbm>>
      %dma_wait3A_61 = arith.constant 0 : i32
      %dma_wait3A_62 = arith.constant 0 : i32
      %dma_wait3A_63 = arith.constant 0 : i32
      %dma_wait3A_64 = tpu.memref_slice %arg3[%add3A, %dma_wait3A_61, %dma_wait3A_62, %dma_wait3A_63] : memref<32x87x2x128xi32, #tpu.memory_space<hbm>> -> memref<1x87x2x128xi32, #tpu.memory_space<hbm>>
      %dma_wait3A_65 = tpu.memref_squeeze %dma_wait3A_64 : memref<1x87x2x128xi32, #tpu.memory_space<hbm>> -> memref<87x2x128xi32, #tpu.memory_space<hbm>>
      tpu.wait_dma2 semaphore(%run_scoped3A : memref<!tpu.dma_semaphore, #tpu.memory_space<semaphore_mem>>) src(%dma_wait3A_65 : memref<87x2x128xi32, #tpu.memory_space<hbm>>) dst(%arg5 : memref<87x2x128xi32, #tpu.memory_space<vmem>>)
      tpu.yield
    }) : () -> ()
    %sub3A = arith.constant 0 : i32
    %sub3A_27 = arith.subi %select_n3A, %sub3A : i32
    %sub3A_28 = arith.constant 1 : i32
    %sub3A_29 = arith.constant 1 : i32
    %sub3A_30 = arith.subi %sub3A_28, %sub3A_29 : i32
    %add3A_31 = arith.addi %sub3A_27, %sub3A_30 : i32
    %div3A = arith.constant 1 : i32
    %div3A_32 = arith.divsi %add3A_31, %div3A : i32
    %while3A = arith.constant 1 : i32
    %while3A_33 = arith.constant 0 : i32
    %while3A_34 = arith.constant 0 : i32
    %while3A_35 = arith.subi %div3A_32, %while3A_34 : i32
    %while3A_36 = arith.addi %while3A_34, %while3A_35 : i32
    %while3A_37 = arith.constant 1 : i32
    %while3A_38 = arith.divsi %while3A_35, %while3A_37 : i32
    %while3A_39 = arith.muli %while3A_38, %while3A_37 : i32
    %while3A_40 = arith.addi %while3A_34, %while3A_39 : i32
    %while3A_41 = arith.constant 1 : i32
    scf.for %while3A_48 = %while3A_34 to %while3A_40 step %while3A_41  : i32 {
      %mul3A_49 = arith.muli %while3A_48, %while3A : i32
      %add3A_50 = arith.addi %while3A_33, %mul3A_49 : i32
      %dma_start3A = arith.constant 0 : i32
      %dma_start3A_51 = arith.constant 0 : i32
      %dma_start3A_52 = tpu.memref_slice %arg5[%add3A_50, %dma_start3A, %dma_start3A_51] : memref<87x2x128xi32, #tpu.memory_space<vmem>> -> memref<1x1x128xi32, #tpu.memory_space<vmem>>
      %dma_start3A_53 = tpu.memref_squeeze %dma_start3A_52 : memref<1x1x128xi32, #tpu.memory_space<vmem>> -> memref<128xi32, #tpu.memory_space<vmem>>
      %dma_start3A_54 = arith.constant 0 : i32
      %dma_start3A_55 = arith.constant 0 : i32
      %dma_start3A_56 = tpu.memref_slice %arg2[%dma_start3A_54, %dma_start3A_55] : memref<10240x128xf32, #tpu.memory_space<hbm>> -> memref<10240x128xf32, #tpu.memory_space<hbm>>
      tpu.enqueue_indirect_dma source(%dma_start3A_56 : memref<10240x128xf32, #tpu.memory_space<hbm>>) target(%arg6 : memref<128x128xf32, #tpu.memory_space<vmem>>) offsets(%dma_start3A_53 : memref<128xi32, #tpu.memory_space<vmem>>) semaphore(%arg8 : memref<!tpu.dma_semaphore, #tpu.memory_space<semaphore_mem>>)
      %dma_wait3A = arith.constant 0 : i32
      %dma_wait3A_57 = arith.constant 0 : i32
      %dma_wait3A_58 = tpu.memref_slice %arg5[%add3A_50, %dma_wait3A, %dma_wait3A_57] : memref<87x2x128xi32, #tpu.memory_space<vmem>> -> memref<1x1x128xi32, #tpu.memory_space<vmem>>
      %dma_wait3A_59 = tpu.memref_squeeze %dma_wait3A_58 : memref<1x1x128xi32, #tpu.memory_space<vmem>> -> memref<128xi32, #tpu.memory_space<vmem>>
      %dma_wait3A_60 = arith.constant 0 : i32
      %dma_wait3A_61 = arith.constant 0 : i32
      %dma_wait3A_62 = tpu.memref_slice %arg2[%dma_wait3A_60, %dma_wait3A_61] : memref<10240x128xf32, #tpu.memory_space<hbm>> -> memref<10240x128xf32, #tpu.memory_space<hbm>>
      tpu.wait_indirect_dma semaphore(%arg8 : memref<!tpu.dma_semaphore, #tpu.memory_space<semaphore_mem>>) src(%dma_wait3A_62 : memref<10240x128xf32, #tpu.memory_space<hbm>>) dst(%arg6 : memref<128x128xf32, #tpu.memory_space<vmem>>)
      %run_scoped3A = arith.constant 1 : i32
      "tpu.region"() ({
        %run_scoped3A_63 = tpu.sem_alloc : memref<!tpu.dma_semaphore, #tpu.memory_space<semaphore_mem>>
        %dma_start3A_64 = arith.constant 0 : i32
        %dma_start3A_65 = tpu.memref_slice %arg5[%add3A_50, %run_scoped3A, %dma_start3A_64] : memref<87x2x128xi32, #tpu.memory_space<vmem>> -> memref<1x1x128xi32, #tpu.memory_space<vmem>>
        %dma_start3A_66 = tpu.memref_squeeze %dma_start3A_65 : memref<1x1x128xi32, #tpu.memory_space<vmem>> -> memref<128xi32, #tpu.memory_space<vmem>>
        %dma_start3A_67 = arith.constant 0 : i32
        %dma_start3A_68 = arith.constant 0 : i32
        %dma_start3A_69 = tpu.memref_slice %arg7[%dma_start3A_67, %dma_start3A_68] : memref<10240x128xf32, #tpu.memory_space<vmem_shared>> -> memref<10240x128xf32, #tpu.memory_space<vmem_shared>>
        tpu.enqueue_indirect_dma source(%arg6 : memref<128x128xf32, #tpu.memory_space<vmem>>) target(%dma_start3A_69 : memref<10240x128xf32, #tpu.memory_space<vmem_shared>>) offsets(%dma_start3A_66 : memref<128xi32, #tpu.memory_space<vmem>>) semaphore(%run_scoped3A_63 : memref<!tpu.dma_semaphore, #tpu.memory_space<semaphore_mem>>) {add = true}
        %dma_wait3A_70 = arith.constant 0 : i32
        %dma_wait3A_71 = tpu.memref_slice %arg5[%add3A_50, %run_scoped3A, %dma_wait3A_70] : memref<87x2x128xi32, #tpu.memory_space<vmem>> -> memref<1x1x128xi32, #tpu.memory_space<vmem>>
        %dma_wait3A_72 = tpu.memref_squeeze %dma_wait3A_71 : memref<1x1x128xi32, #tpu.memory_space<vmem>> -> memref<128xi32, #tpu.memory_space<vmem>>
        %dma_wait3A_73 = arith.constant 0 : i32
        %dma_wait3A_74 = arith.constant 0 : i32
        %dma_wait3A_75 = tpu.memref_slice %arg7[%dma_wait3A_73, %dma_wait3A_74] : memref<10240x128xf32, #tpu.memory_space<vmem_shared>> -> memref<10240x128xf32, #tpu.memory_space<vmem_shared>>
        tpu.wait_indirect_dma semaphore(%run_scoped3A_63 : memref<!tpu.dma_semaphore, #tpu.memory_space<semaphore_mem>>) src(%arg6 : memref<128x128xf32, #tpu.memory_space<vmem>>) dst(%dma_wait3A_75 : memref<10240x128xf32, #tpu.memory_space<vmem_shared>>)
        tpu.yield
      }) : () -> ()
    }
    %while3A_42 = arith.constant 1 : i32
    scf.for %while3A_48 = %while3A_40 to %while3A_36 step %while3A_42  : i32 {
      %mul3A_49 = arith.muli %while3A_48, %while3A : i32
      %add3A_50 = arith.addi %while3A_33, %mul3A_49 : i32
      %dma_start3A = arith.constant 0 : i32
      %dma_start3A_51 = arith.constant 0 : i32
      %dma_start3A_52 = tpu.memref_slice %arg5[%add3A_50, %dma_start3A, %dma_start3A_51] : memref<87x2x128xi32, #tpu.memory_space<vmem>> -> memref<1x1x128xi32, #tpu.memory_space<vmem>>
      %dma_start3A_53 = tpu.memref_squeeze %dma_start3A_52 : memref<1x1x128xi32, #tpu.memory_space<vmem>> -> memref<128xi32, #tpu.memory_space<vmem>>
      %dma_start3A_54 = arith.constant 0 : i32
      %dma_start3A_55 = arith.constant 0 : i32
      %dma_start3A_56 = tpu.memref_slice %arg2[%dma_start3A_54, %dma_start3A_55] : memref<10240x128xf32, #tpu.memory_space<hbm>> -> memref<10240x128xf32, #tpu.memory_space<hbm>>
      tpu.enqueue_indirect_dma source(%dma_start3A_56 : memref<10240x128xf32, #tpu.memory_space<hbm>>) target(%arg6 : memref<128x128xf32, #tpu.memory_space<vmem>>) offsets(%dma_start3A_53 : memref<128xi32, #tpu.memory_space<vmem>>) semaphore(%arg8 : memref<!tpu.dma_semaphore, #tpu.memory_space<semaphore_mem>>)
      %dma_wait3A = arith.constant 0 : i32
      %dma_wait3A_57 = arith.constant 0 : i32
      %dma_wait3A_58 = tpu.memref_slice %arg5[%add3A_50, %dma_wait3A, %dma_wait3A_57] : memref<87x2x128xi32, #tpu.memory_space<vmem>> -> memref<1x1x128xi32, #tpu.memory_space<vmem>>
      %dma_wait3A_59 = tpu.memref_squeeze %dma_wait3A_58 : memref<1x1x128xi32, #tpu.memory_space<vmem>> -> memref<128xi32, #tpu.memory_space<vmem>>
      %dma_wait3A_60 = arith.constant 0 : i32
      %dma_wait3A_61 = arith.constant 0 : i32
      %dma_wait3A_62 = tpu.memref_slice %arg2[%dma_wait3A_60, %dma_wait3A_61] : memref<10240x128xf32, #tpu.memory_space<hbm>> -> memref<10240x128xf32, #tpu.memory_space<hbm>>
      tpu.wait_indirect_dma semaphore(%arg8 : memref<!tpu.dma_semaphore, #tpu.memory_space<semaphore_mem>>) src(%dma_wait3A_62 : memref<10240x128xf32, #tpu.memory_space<hbm>>) dst(%arg6 : memref<128x128xf32, #tpu.memory_space<vmem>>)
      %run_scoped3A = arith.constant 1 : i32
      "tpu.region"() ({
        %run_scoped3A_63 = tpu.sem_alloc : memref<!tpu.dma_semaphore, #tpu.memory_space<semaphore_mem>>
        %dma_start3A_64 = arith.constant 0 : i32
        %dma_start3A_65 = tpu.memref_slice %arg5[%add3A_50, %run_scoped3A, %dma_start3A_64] : memref<87x2x128xi32, #tpu.memory_space<vmem>> -> memref<1x1x128xi32, #tpu.memory_space<vmem>>
        %dma_start3A_66 = tpu.memref_squeeze %dma_start3A_65 : memref<1x1x128xi32, #tpu.memory_space<vmem>> -> memref<128xi32, #tpu.memory_space<vmem>>
        %dma_start3A_67 = arith.constant 0 : i32
        %dma_start3A_68 = arith.constant 0 : i32
        %dma_start3A_69 = tpu.memref_slice %arg7[%dma_start3A_67, %dma_start3A_68] : memref<10240x128xf32, #tpu.memory_space<vmem_shared>> -> memref<10240x128xf32, #tpu.memory_space<vmem_shared>>
        tpu.enqueue_indirect_dma source(%arg6 : memref<128x128xf32, #tpu.memory_space<vmem>>) target(%dma_start3A_69 : memref<10240x128xf32, #tpu.memory_space<vmem_shared>>) offsets(%dma_start3A_66 : memref<128xi32, #tpu.memory_space<vmem>>) semaphore(%run_scoped3A_63 : memref<!tpu.dma_semaphore, #tpu.memory_space<semaphore_mem>>) {add = true}
        %dma_wait3A_70 = arith.constant 0 : i32
        %dma_wait3A_71 = tpu.memref_slice %arg5[%add3A_50, %run_scoped3A, %dma_wait3A_70] : memref<87x2x128xi32, #tpu.memory_space<vmem>> -> memref<1x1x128xi32, #tpu.memory_space<vmem>>
        %dma_wait3A_72 = tpu.memref_squeeze %dma_wait3A_71 : memref<1x1x128xi32, #tpu.memory_space<vmem>> -> memref<128xi32, #tpu.memory_space<vmem>>
        %dma_wait3A_73 = arith.constant 0 : i32
        %dma_wait3A_74 = arith.constant 0 : i32
        %dma_wait3A_75 = tpu.memref_slice %arg7[%dma_wait3A_73, %dma_wait3A_74] : memref<10240x128xf32, #tpu.memory_space<vmem_shared>> -> memref<10240x128xf32, #tpu.memory_space<vmem_shared>>
        tpu.wait_indirect_dma semaphore(%run_scoped3A_63 : memref<!tpu.dma_semaphore, #tpu.memory_space<semaphore_mem>>) src(%arg6 : memref<128x128xf32, #tpu.memory_space<vmem>>) dst(%dma_wait3A_75 : memref<10240x128xf32, #tpu.memory_space<vmem_shared>>)
        tpu.yield
      }) : () -> ()
    }
    %barrier3A_43 = arith.constant 0 : index
    tpu.barrier barrier_id(%barrier3A_43)
    %mul3A_44 = arith.constant 640 : i32
    %mul3A_45 = arith.muli %arg1, %mul3A_44 : i32
    %mul3A_46 = arith.constant 640 : i32
    %mul3A_47 = arith.muli %arg1, %mul3A_46 : i32
    "tpu.region"() ({
      %run_scoped3A = tpu.sem_alloc : memref<!tpu.dma_semaphore, #tpu.memory_space<semaphore_mem>>
      %dma_start3A = arith.constant 0 : i32
      %dma_start3A_48 = tpu.memref_slice %arg4[%arg0, %mul3A_47, %dma_start3A] : memref<2x10240x128xf32, #tpu.memory_space<hbm>> -> memref<1x640x128xf32, #tpu.memory_space<hbm>>
      %dma_start3A_49 = tpu.memref_squeeze %dma_start3A_48 : memref<1x640x128xf32, #tpu.memory_space<hbm>> -> memref<640x128xf32, #tpu.memory_space<hbm>>
      %dma_start3A_50 = arith.constant 0 : i32
      %dma_start3A_51 = tpu.memref_slice %arg7[%mul3A_45, %dma_start3A_50] : memref<10240x128xf32, #tpu.memory_space<vmem_shared>> -> memref<640x128xf32, #tpu.memory_space<vmem_shared>>
      tpu.enqueue_dma source(%dma_start3A_51 : memref<640x128xf32, #tpu.memory_space<vmem_shared>>) target(%dma_start3A_49 : memref<640x128xf32, #tpu.memory_space<hbm>>) target_semaphore(%run_scoped3A : memref<!tpu.dma_semaphore, #tpu.memory_space<semaphore_mem>>)
      %dma_wait3A = arith.constant 0 : i32
      %dma_wait3A_52 = tpu.memref_slice %arg4[%arg0, %mul3A_47, %dma_wait3A] : memref<2x10240x128xf32, #tpu.memory_space<hbm>> -> memref<1x640x128xf32, #tpu.memory_space<hbm>>
      %dma_wait3A_53 = tpu.memref_squeeze %dma_wait3A_52 : memref<1x640x128xf32, #tpu.memory_space<hbm>> -> memref<640x128xf32, #tpu.memory_space<hbm>>
      %dma_wait3A_54 = arith.constant 0 : i32
      %dma_wait3A_55 = tpu.memref_slice %arg7[%mul3A_45, %dma_wait3A_54] : memref<10240x128xf32, #tpu.memory_space<vmem_shared>> -> memref<640x128xf32, #tpu.memory_space<vmem_shared>>
      tpu.wait_dma2 semaphore(%run_scoped3A : memref<!tpu.dma_semaphore, #tpu.memory_space<semaphore_mem>>) src(%dma_wait3A_55 : memref<640x128xf32, #tpu.memory_space<vmem_shared>>) dst(%dma_wait3A_53 : memref<640x128xf32, #tpu.memory_space<hbm>>)
      tpu.yield
    }) : () -> ()
    return
  }
}

module attributes {stable_mosaic.version = 14 : i64} {
  func.func @body(%arg0: i32, %arg1: memref<1000x128xf32, #tpu.memory_space<vmem>>, %arg2: memref<2x1000x16xf32, #tpu.memory_space<vmem>>, %arg3: memref<1000x128xf32, #tpu.memory_space<vmem>>) attributes {dimension_semantics = [#tpu.dimension_semantics<arbitrary>], iteration_bounds = array<i64: 10>, scalar_prefetch = 0 : i64, scratch_operands = 0 : i64, tpu.core_type = #tpu.core_type<tc>, window_params = [{transform_indices = @transform_0, window_bounds = array<i64: 1000, 128>}, {transform_indices = @transform_1, window_bounds = array<i64: 2, 1000, 16>}, {transform_indices = @transform_2, window_bounds = array<i64: 1000, 128>}]} {
    %get3A = arith.constant 0 : index
    %get3A_0 = arith.constant 0 : index
    %get3A_1 = arith.constant 0 : index
    %get3A_2 = vector.load %arg2[%get3A, %get3A_0, %get3A_1] : memref<2x1000x16xf32, #tpu.memory_space<vmem>>, vector<1x1000x1xf32>
    %get3A_3 = vector.shape_cast %get3A_2 : vector<1x1000x1xf32> to vector<1000x1xf32>
    %max3A = arith.constant 1.000000e+00 : f32
    %max3A_4 = vector.broadcast %max3A : f32 to vector<1000x1xf32>
    %max3A_5 = arith.maximumf %get3A_3, %max3A_4 : vector<1000x1xf32>
    %rsqrt3A = math.rsqrt %max3A_5 : vector<1000x1xf32>
    %get3A_6 = arith.constant 0 : index
    %get3A_7 = arith.constant 0 : index
    %get3A_8 = vector.load %arg1[%get3A_6, %get3A_7] : memref<1000x128xf32, #tpu.memory_space<vmem>>, vector<1000x128xf32>
    %mul3A = vector.broadcast %rsqrt3A : vector<1000x1xf32> to vector<1000x128xf32>
    %mul3A_9 = arith.mulf %get3A_8, %mul3A : vector<1000x128xf32>
    %swap3A = arith.constant 0 : index
    %swap3A_10 = arith.constant 0 : index
    %swap3A_11 = vector.load %arg3[%swap3A, %swap3A_10] : memref<1000x128xf32, #tpu.memory_space<vmem>>, vector<1000x128xf32>
    tpu.vector_store %arg3[%swap3A, %swap3A_10], %mul3A_9 {strides = array<i32>} : memref<1000x128xf32, #tpu.memory_space<vmem>>, vector<1000x128xf32>,
    return
  }
  func.func @transform_0(%arg0: i32) -> (i32, i32) {
    %c0_i32 = arith.constant 0 : i32
    %c0_i32_0 = arith.constant 0 : i32
    return %arg0, %c0_i32 : i32, i32
  }
  func.func @transform_1(%arg0: i32) -> (i32, i32, i32) {
    %c0_i32 = arith.constant 0 : i32
    %c0_i32_0 = arith.constant 0 : i32
    %c0_i32_1 = arith.constant 0 : i32
    return %c0_i32, %arg0, %c0_i32_0 : i32, i32, i32
  }
  func.func @transform_2(%arg0: i32) -> (i32, i32) {
    %c0_i32 = arith.constant 0 : i32
    %c0_i32_0 = arith.constant 0 : i32
    return %arg0, %c0_i32 : i32, i32
  }
}

module attributes {stable_mosaic.version = 14 : i64} {
  func.func @body(%arg0: i32, %arg1: memref<2x1024x128xf32, #tpu.memory_space<vmem>>, %arg2: memref<2x1024x16xf32, #tpu.memory_space<vmem>>, %arg3: memref<128x256xf32, #tpu.memory_space<vmem>>, %arg4: memref<1x256xf32, #tpu.memory_space<vmem>>, %arg5: memref<256x64xf32, #tpu.memory_space<vmem>>, %arg6: memref<1024x64xf32, #tpu.memory_space<vmem>>) attributes {dimension_semantics = [#tpu.dimension_semantics<arbitrary>], iteration_bounds = array<i64: 10>, scalar_prefetch = 0 : i64, scratch_operands = 0 : i64, tpu.core_type = #tpu.core_type<tc>, window_params = [{transform_indices = @transform_0, window_bounds = array<i64: 2, 1024, 128>}, {transform_indices = @transform_1, window_bounds = array<i64: 2, 1024, 16>}, {pipeline_mode = #tpu.pipeline_mode<synchronous>, transform_indices = @transform_2, window_bounds = array<i64: 128, 256>}, {pipeline_mode = #tpu.pipeline_mode<synchronous>, transform_indices = @transform_3, window_bounds = array<i64: 1, 256>}, {pipeline_mode = #tpu.pipeline_mode<synchronous>, transform_indices = @transform_4, window_bounds = array<i64: 256, 64>}, {transform_indices = @transform_5, window_bounds = array<i64: 1024, 64>}]} {
    %get3A = arith.constant 0 : index
    %get3A_0 = arith.constant 0 : index
    %get3A_1 = arith.constant 0 : index
    %get3A_2 = vector.load %arg1[%get3A, %get3A_0, %get3A_1] : memref<2x1024x128xf32, #tpu.memory_space<vmem>>, vector<1x1024x128xf32>
    %get3A_3 = vector.shape_cast %get3A_2 : vector<1x1024x128xf32> to vector<1024x128xf32>
    %get3A_4 = arith.constant 1 : index
    %get3A_5 = arith.constant 0 : index
    %get3A_6 = arith.constant 0 : index
    %get3A_7 = vector.load %arg1[%get3A_4, %get3A_5, %get3A_6] : memref<2x1024x128xf32, #tpu.memory_space<vmem>>, vector<1x1024x128xf32>
    %get3A_8 = vector.shape_cast %get3A_7 : vector<1x1024x128xf32> to vector<1024x128xf32>
    %add3A = arith.addf %get3A_3, %get3A_8 : vector<1024x128xf32>
    %get3A_9 = arith.constant 1 : index
    %get3A_10 = arith.constant 0 : index
    %get3A_11 = arith.constant 0 : index
    %get3A_12 = vector.load %arg2[%get3A_9, %get3A_10, %get3A_11] : memref<2x1024x16xf32, #tpu.memory_space<vmem>>, vector<1x1024x1xf32>
    %get3A_13 = vector.shape_cast %get3A_12 : vector<1x1024x1xf32> to vector<1024x1xf32>
    %max3A = arith.constant 1.000000e+00 : f32
    %max3A_14 = vector.broadcast %max3A : f32 to vector<1024x1xf32>
    %max3A_15 = arith.maximumf %get3A_13, %max3A_14 : vector<1024x1xf32>
    %rsqrt3A = math.rsqrt %max3A_15 : vector<1024x1xf32>
    %get3A_16 = arith.constant 0 : index
    %get3A_17 = arith.constant 0 : index
    %get3A_18 = arith.constant 0 : index
    %get3A_19 = vector.load %arg2[%get3A_16, %get3A_17, %get3A_18] : memref<2x1024x16xf32, #tpu.memory_space<vmem>>, vector<1x1024x1xf32>
    %get3A_20 = vector.shape_cast %get3A_19 : vector<1x1024x1xf32> to vector<1024x1xf32>
    %max3A_21 = arith.constant 1.000000e+00 : f32
    %max3A_22 = vector.broadcast %max3A_21 : f32 to vector<1024x1xf32>
    %max3A_23 = arith.maximumf %get3A_20, %max3A_22 : vector<1024x1xf32>
    %rsqrt3A_24 = math.rsqrt %max3A_23 : vector<1024x1xf32>
    %mul3A = vector.broadcast %rsqrt3A : vector<1024x1xf32> to vector<1024x128xf32>
    %mul3A_25 = arith.mulf %add3A, %mul3A : vector<1024x128xf32>
    %get3A_26 = arith.constant 0 : index
    %get3A_27 = arith.constant 0 : index
    %get3A_28 = vector.load %arg3[%get3A_26, %get3A_27] : memref<128x256xf32, #tpu.memory_space<vmem>>, vector<128x256xf32>
    %dot_general3A = arith.constant dense<0.000000e+00> : vector<1024x256xf32>
    %dot_general3A_29 = tpu.matmul %mul3A_25, %get3A_28, %dot_general3A {dimension_numbers = #tpu.dot_dimension_numbers<[1], [0], [0], [1], [0, 0, 1, 1], [], []>, transpose_lhs_hint = false} : vector<1024x128xf32>, vector<128x256xf32>, vector<1024x256xf32> -> vector<1024x256xf32>
    %get3A_30 = arith.constant 0 : index
    %get3A_31 = arith.constant 0 : index
    %get3A_32 = vector.load %arg4[%get3A_30, %get3A_31] : memref<1x256xf32, #tpu.memory_space<vmem>>, vector<1x256xf32>
    %add3A_33 = vector.broadcast %get3A_32 : vector<1x256xf32> to vector<1024x256xf32>
    %add3A_34 = arith.addf %dot_general3A_29, %add3A_33 : vector<1024x256xf32>
    %max3A_35 = arith.constant 0.000000e+00 : f32
    %max3A_36 = vector.broadcast %max3A_35 : f32 to vector<1024x256xf32>
    %max3A_37 = arith.maximumf %add3A_34, %max3A_36 : vector<1024x256xf32>
    %get3A_38 = arith.constant 0 : index
    %get3A_39 = arith.constant 0 : index
    %get3A_40 = vector.load %arg5[%get3A_38, %get3A_39] : memref<256x64xf32, #tpu.memory_space<vmem>>, vector<256x64xf32>
    %dot_general3A_41 = arith.constant dense<0.000000e+00> : vector<1024x64xf32>
    %dot_general3A_42 = tpu.matmul %max3A_37, %get3A_40, %dot_general3A_41 {dimension_numbers = #tpu.dot_dimension_numbers<[1], [0], [0], [1], [0, 0, 1, 1], [], []>, transpose_lhs_hint = false} : vector<1024x256xf32>, vector<256x64xf32>, vector<1024x64xf32> -> vector<1024x64xf32>
    %mul3A_43 = vector.broadcast %rsqrt3A_24 : vector<1024x1xf32> to vector<1024x64xf32>
    %mul3A_44 = arith.mulf %dot_general3A_42, %mul3A_43 : vector<1024x64xf32>
    %swap3A = arith.constant 0 : index
    %swap3A_45 = arith.constant 0 : index
    %swap3A_46 = vector.load %arg6[%swap3A, %swap3A_45] : memref<1024x64xf32, #tpu.memory_space<vmem>>, vector<1024x64xf32>
    tpu.vector_store %arg6[%swap3A, %swap3A_45], %mul3A_44 {strides = array<i32>} : memref<1024x64xf32, #tpu.memory_space<vmem>>, vector<1024x64xf32>,
    return
  }
  func.func @transform_0(%arg0: i32) -> (i32, i32, i32) {
    %c0_i32 = arith.constant 0 : i32
    %c0_i32_0 = arith.constant 0 : i32
    %c0_i32_1 = arith.constant 0 : i32
    return %c0_i32, %arg0, %c0_i32_0 : i32, i32, i32
  }
  func.func @transform_1(%arg0: i32) -> (i32, i32, i32) {
    %c0_i32 = arith.constant 0 : i32
    %c0_i32_0 = arith.constant 0 : i32
    %c0_i32_1 = arith.constant 0 : i32
    return %c0_i32, %arg0, %c0_i32_0 : i32, i32, i32
  }
  func.func @transform_2(%arg0: i32) -> (i32, i32) {
    %c0_i32 = arith.constant 0 : i32
    %c0_i32_0 = arith.constant 0 : i32
    %c0_i32_1 = arith.constant 0 : i32
    return %c0_i32, %c0_i32_0 : i32, i32
  }
  func.func @transform_3(%arg0: i32) -> (i32, i32) {
    %c0_i32 = arith.constant 0 : i32
    %c0_i32_0 = arith.constant 0 : i32
    %c0_i32_1 = arith.constant 0 : i32
    return %c0_i32, %c0_i32_0 : i32, i32
  }
  func.func @transform_4(%arg0: i32) -> (i32, i32) {
    %c0_i32 = arith.constant 0 : i32
    %c0_i32_0 = arith.constant 0 : i32
    %c0_i32_1 = arith.constant 0 : i32
    return %c0_i32, %c0_i32_0 : i32, i32
  }
  func.func @transform_5(%arg0: i32) -> (i32, i32) {
    %c0_i32 = arith.constant 0 : i32
    %c0_i32_0 = arith.constant 0 : i32
    return %arg0, %c0_i32 : i32, i32
  }
}

module attributes {stable_mosaic.version = 14 : i64} {
  func.func @body(%arg0: i32, %arg1: memref<2x1000x64xf32, #tpu.memory_space<vmem>>, %arg2: memref<2x1000x16xf32, #tpu.memory_space<vmem>>, %arg3: memref<1x64xf32, #tpu.memory_space<vmem>>, %arg4: memref<1000x64xf32, #tpu.memory_space<vmem>>) attributes {dimension_semantics = [#tpu.dimension_semantics<arbitrary>], iteration_bounds = array<i64: 10>, scalar_prefetch = 0 : i64, scratch_operands = 0 : i64, tpu.core_type = #tpu.core_type<tc>, window_params = [{transform_indices = @transform_0, window_bounds = array<i64: 2, 1000, 64>}, {transform_indices = @transform_1, window_bounds = array<i64: 2, 1000, 16>}, {pipeline_mode = #tpu.pipeline_mode<synchronous>, transform_indices = @transform_2, window_bounds = array<i64: 1, 64>}, {transform_indices = @transform_3, window_bounds = array<i64: 1000, 64>}]} {
    %get3A = arith.constant 0 : index
    %get3A_0 = arith.constant 0 : index
    %get3A_1 = arith.constant 0 : index
    %get3A_2 = vector.load %arg1[%get3A, %get3A_0, %get3A_1] : memref<2x1000x64xf32, #tpu.memory_space<vmem>>, vector<1x1000x64xf32>
    %get3A_3 = vector.shape_cast %get3A_2 : vector<1x1000x64xf32> to vector<1000x64xf32>
    %get3A_4 = arith.constant 1 : index
    %get3A_5 = arith.constant 0 : index
    %get3A_6 = arith.constant 0 : index
    %get3A_7 = vector.load %arg1[%get3A_4, %get3A_5, %get3A_6] : memref<2x1000x64xf32, #tpu.memory_space<vmem>>, vector<1x1000x64xf32>
    %get3A_8 = vector.shape_cast %get3A_7 : vector<1x1000x64xf32> to vector<1000x64xf32>
    %add3A = arith.addf %get3A_3, %get3A_8 : vector<1000x64xf32>
    %get3A_9 = arith.constant 1 : index
    %get3A_10 = arith.constant 0 : index
    %get3A_11 = arith.constant 0 : index
    %get3A_12 = vector.load %arg2[%get3A_9, %get3A_10, %get3A_11] : memref<2x1000x16xf32, #tpu.memory_space<vmem>>, vector<1x1000x1xf32>
    %get3A_13 = vector.shape_cast %get3A_12 : vector<1x1000x1xf32> to vector<1000x1xf32>
    %max3A = arith.constant 1.000000e+00 : f32
    %max3A_14 = vector.broadcast %max3A : f32 to vector<1000x1xf32>
    %max3A_15 = arith.maximumf %get3A_13, %max3A_14 : vector<1000x1xf32>
    %rsqrt3A = math.rsqrt %max3A_15 : vector<1000x1xf32>
    %mul3A = vector.broadcast %rsqrt3A : vector<1000x1xf32> to vector<1000x64xf32>
    %mul3A_16 = arith.mulf %add3A, %mul3A : vector<1000x64xf32>
    %get3A_17 = arith.constant 0 : index
    %get3A_18 = arith.constant 0 : index
    %get3A_19 = vector.load %arg3[%get3A_17, %get3A_18] : memref<1x64xf32, #tpu.memory_space<vmem>>, vector<1x64xf32>
    %add3A_20 = vector.broadcast %get3A_19 : vector<1x64xf32> to vector<1000x64xf32>
    %add3A_21 = arith.addf %mul3A_16, %add3A_20 : vector<1000x64xf32>
    %swap3A = arith.constant 0 : index
    %swap3A_22 = arith.constant 0 : index
    %swap3A_23 = vector.load %arg4[%swap3A, %swap3A_22] : memref<1000x64xf32, #tpu.memory_space<vmem>>, vector<1000x64xf32>
    tpu.vector_store %arg4[%swap3A, %swap3A_22], %add3A_21 {strides = array<i32>} : memref<1000x64xf32, #tpu.memory_space<vmem>>, vector<1000x64xf32>,
    return
  }
  func.func @transform_0(%arg0: i32) -> (i32, i32, i32) {
    %c0_i32 = arith.constant 0 : i32
    %c0_i32_0 = arith.constant 0 : i32
    %c0_i32_1 = arith.constant 0 : i32
    return %c0_i32, %arg0, %c0_i32_0 : i32, i32, i32
  }
  func.func @transform_1(%arg0: i32) -> (i32, i32, i32) {
    %c0_i32 = arith.constant 0 : i32
    %c0_i32_0 = arith.constant 0 : i32
    %c0_i32_1 = arith.constant 0 : i32
    return %c0_i32, %arg0, %c0_i32_0 : i32, i32, i32
  }
  func.func @transform_2(%arg0: i32) -> (i32, i32) {
    %c0_i32 = arith.constant 0 : i32
    %c0_i32_0 = arith.constant 0 : i32
    %c0_i32_1 = arith.constant 0 : i32
    return %c0_i32, %c0_i32_0 : i32, i32
  }
  func.func @transform_3(%arg0: i32) -> (i32, i32) {
    %c0_i32 = arith.constant 0 : i32
    %c0_i32_0 = arith.constant 0 : i32
    return %arg0, %c0_i32 : i32, i32
  }
}

</mosaic_0001>

<sc_bundles>
// kernel: _gcn.11.cloned.1.call-start
scs
__scs_entry_jumppad:
0x0: {  	(pc) =	sbr.rel $0x88, $3  }
0x1: {  	(tag) =	ssettag $0x0;
	lr =	simm.s32 $0x1  }
0x2: {  	[smem:$0x3F9B] =	sst lr;
	_ =	strace $0xD0000000  }
0x3: {  	_ = 	snop  }
0x4: {  	_ = 	snop  }
0x5: {  	_ = 	snop  }
0x6: {  	_ = 	snop  }
0x7: {  	_ = 	snop  }
__scs_overlays_trampoline_lowered:
0x8: {  	[smem:$0x3FAA] =	sst s0  }
0x9: {  	[smem:$0x3FAB] =	sst s1  }
0xa: {  	[smem:$0x3FAC] =	sst s2  }
0xb: {  	[smem:$0x3FAD] =	sst s3  }
0xc: {  	[smem:$0x3FAE] =	sst s4  }
0xd: {  	[smem:$0x3FAF] =	sst s5  }
0xe: {  	[smem:$0x3FB0] =	sst s6  }
0xf: {  	[smem:$0x3FB1] =	sst s7  }
0x10: {  	[smem:$0x3FB2] =	sst s8  }
0x11: {  	[smem:$0x3FB3] =	sst s9;
	s0 =	simm.s32 @!p0 $0x0  }
0x12: {  	s1 =	sld [smem:$0x3F99];
	s0 =	simm.s32 @p0 $0x1  }
0x13: {  	[smem:$0x3FB4] =	sst s0;
	s0 =	simm.s32 @!p1 $0x0  }
0x14: {  	s2 =	sld [smem:$0x3F98];
	s0 =	simm.s32 @p1 $0x1  }
0x15: {  	[smem:$0x3FB5] =	sst s0;
	s0 =	simm.s32 @!p2 $0x0  }
0x16: {  	s3 =	sld [smem:$0x3FDB];
	s0 =	simm.s32 @p2 $0x1  }
0x17: {  	s4 =	simm.s32 $0x1BF5;
	[smem:$0x3FB7] =	sst s0  }
0x18: {  	s0 =	sld [smem:$0x3F9A];
	_ =	swait.ge [sflag:s4], $0x0  }
0x19: {  	s7 =	sld [smem:$0x3F9B]  }
0x1a: {  	s8 =	sadd.s32 $0xFFFFE003, lr  }
0x1b: {  	s9 =	sadd.s32 $0xFFFFFEF7, lr;
	s5 =	simm.s32 $0xFFFFFFFF;
	p2 =	slt.u32 s8, $0xFFFFF086  }
0x1c: {  	p1 =	slt.u32 s9, $0xF7A;
	s5 =	simm.s32 @!p2 $0x0  }
0x1d: {  	s5 =	simm.s32 @p1 $0x1;
	p0 =	seq.s32 s7, s2  }
0x1e: {  	s7 =	smul.u32 @!p0 $0xF7A, s2;
	p2 =	seq.s32 @!p0 s5, $0x0  }
0x1f: {  	s9 =	smul.u32 $0xF7A, s1;
	s8 =	simm.s32 @!p0 $0x1BF5;
	p2 =	por !p2, p0  }
0x20: {  	[sflag:s8] =	ssyncset.s32 @!p0 $0xFFFFF086;
	s6 =	sadd.s32 @!p0 s3, s7;
	s7 =	simm.s32 @!p0 $0x108  }
0x21: {  	s3 =	sadd.s32 s3, s9;
	s6 =	sadd.s32 @!p0 $0x88, s6;
	s7 =	simm.s32 @p2 $0x1082  }
0x22: {  	[simem:s7], [sflag:s8] =	dma.local @!p0 [hbm:s6], $0xF7A  }
0x23: {  	s9 =	sor.u32 $0xD0000000, s2;
	s6 =	simm.s32 $0x108;
	_ =	swait.ge @!p0 [sflag:s8], $0x0  }
0x24: {  	s3 =	sadd.s32 $0x88, s3;
	s6 =	simm.s32 @!p1 $0x1082;
	[sflag:s4] =	ssyncset.s32 $0xFFFFF086  }
0x25: {  	[simem:s6], [sflag:s4] =	dma.local [hbm:s3], $0xF7A  }
0x26: {  	[smem:$0x3F9B] =	sst s1;
	(tag) =	ssettag s2;
	_ =	strace s9  }
0x27: {  	s1 =	sld [smem:$0x3FAB]  }
0x28: {  	s2 =	sld [smem:$0x3FAC]  }
0x29: {  	s4 =	sld [smem:$0x3FAE]  }
0x2a: {  	p0 =	seq.s32 s5, $0x0;
	s5 =	sld [smem:$0x3FAF]  }
0x2b: {  	s6 =	sld [smem:$0x3FB0]  }
0x2c: {  	s7 =	sld [smem:$0x3FB1]  }
0x2d: {  	s3 =	simm.s32 $0x108;
	s8 =	sld [smem:$0x3FB2]  }
0x2e: {  	s3 =	simm.s32 @!p0 $0x1082;
	s9 =	sld [smem:$0x3FB3]  }
0x2f: {  	lr =	sadd.s32 s0, s3;
	s0 =	sld [smem:$0x3FAA]  }
0x30: {  	s3 =	sld [smem:$0x3FAD]  }
0x31: {  	[smem:$0x3FB6] =	sst s10  }
0x32: {  	s10 =	sld [smem:$0x3FB4];
	_ =	sdelay $0x3  }
0x33: {  	p0 =	seq.s32 s10, $0x1;
	s10 =	sld [smem:$0x3FB6];
	_ =	sdelay $0x3  }
0x34: {  	[smem:$0x3FB6] =	sst s10  }
0x35: {  	s10 =	sld [smem:$0x3FB5];
	_ =	sdelay $0x3  }
0x36: {  	p1 =	seq.s32 s10, $0x1;
	s10 =	sld [smem:$0x3FB6];
	_ =	sdelay $0x3  }
0x37: {  	[smem:$0x3FB6] =	sst s10  }
0x38: {  	s10 =	sld [smem:$0x3FB7]  }
0x39: {  	_ = 	snop;
	(pc) =	sbr.ind lr, $3  }
0x3a: {  	_ = 	snop  }
0x3b: {  	_ = 	snop  }
0x3c: {  	p2 =	seq.s32 s10, $0x1;
	s10 =	sld [smem:$0x3FB6]  }
0x3d: {  	_ =	shalt  }
0x3e: {  	_ =	shalt  }
0x3f: {  	_ =	shalt  }
0x40: {  	_ =	shalt  }
0x41: {  	_ =	shalt  }
0x42: {  	_ =	shalt  }
0x43: {  	_ =	shalt  }
0x44: {  	_ =	shalt  }
0x45: {  	_ =	shalt  }
0x46: {  	_ =	shalt  }
0x47: {  	_ =	shalt  }
0x48: {  	_ =	shalt  }
0x49: {  	_ =	shalt  }
0x4a: {  	_ =	shalt  }
0x4b: {  	_ =	shalt  }
0x4c: {  	_ =	shalt  }
0x4d: {  	_ =	shalt  }
0x4e: {  	_ =	shalt  }
0x4f: {  	_ =	shalt  }
0x50: {  	_ =	shalt  }
0x51: {  	_ =	shalt  }
0x52: {  	_ =	shalt  }
0x53: {  	_ =	shalt  }
0x54: {  	_ =	shalt  }
0x55: {  	_ =	shalt  }
0x56: {  	_ =	shalt  }
0x57: {  	_ =	shalt  }
0x58: {  	_ =	shalt  }
0x59: {  	_ =	shalt  }
0x5a: {  	_ =	shalt  }
0x5b: {  	_ =	shalt  }
0x5c: {  	_ =	shalt  }
0x5d: {  	_ =	shalt  }
0x5e: {  	_ =	shalt  }
0x5f: {  	_ =	shalt  }
0x60: {  	_ =	shalt  }
0x61: {  	_ =	shalt  }
0x62: {  	_ =	shalt  }
0x63: {  	_ =	shalt  }
0x64: {  	_ =	shalt  }
0x65: {  	_ =	shalt  }
0x66: {  	_ =	shalt  }
0x67: {  	_ =	shalt  }
0x68: {  	_ =	shalt  }
0x69: {  	_ =	shalt  }
0x6a: {  	_ =	shalt  }
0x6b: {  	_ =	shalt  }
0x6c: {  	_ =	shalt  }
0x6d: {  	_ =	shalt  }
0x6e: {  	_ =	shalt  }
0x6f: {  	_ =	shalt  }
0x70: {  	_ =	shalt  }
0x71: {  	_ =	shalt  }
0x72: {  	_ =	shalt  }
0x73: {  	_ =	shalt  }
0x74: {  	_ =	shalt  }
0x75: {  	_ =	shalt  }
0x76: {  	_ =	shalt  }
0x77: {  	_ =	shalt  }
0x78: {  	_ =	shalt  }
0x79: {  	_ =	shalt  }
0x7a: {  	_ =	shalt  }
0x7b: {  	_ =	shalt  }
0x7c: {  	_ =	shalt  }
0x7d: {  	_ =	shalt  }
0x7e: {  	_ =	shalt  }
0x7f: {  	_ =	shalt  }
0x80: {  	_ =	shalt  }
0x81: {  	_ =	shalt  }
0x82: {  	_ =	shalt  }
0x83: {  	_ =	shalt  }
0x84: {  	_ =	shalt  }
0x85: {  	_ =	shalt  }
0x86: {  	_ =	shalt  }
0x87: {  	_ =	shalt  }
.Lfunc_end0:
.L_simem_size_0:
called_computation.1_lowered:
.L_overlay_start_0:
0x88: {  	s2 =	sld [smem:$0x3FD9]  }
0x89: {  	s3 =	sld [smem:$0x3FFE];
	_ =	sdelay $0x1  }
0x8a: {  	s1 =	srdreg.scid  }
0x8b: {  	s0 =	sand.u32 $0x1, s1  }
0x8c: {  	s16 =	sshll.u32 s0, $0xA;
	s2 =	sadd.s32 s3, s2  }
0x8d: {  	s2 =	sadd.s32 s2, s16  }
0x8e: {  	[smem:$0x3FC2] =	sst s2  }
0x8f: {  	_ = 	snop  }
0x90: {  	(tm) =	ssettm $0x1  }
0x91: {  	s17 =	sld [smem:$0x3FFB];
	_ =	sdelay $0x3  }
0x92: {  	_ =	strace s17  }
0x93: {  	s2 =	sld [smem:$0x3FFC];
	_ =	sdelay $0x3  }
0x94: {  	_ =	strace s2  }
0x95: {  	s2 =	sld [smem:$0x3FFD];
	_ =	sdelay $0x3  }
0x96: {  	_ =	strace s2  }
0x97: {  	_ =	strace $0x8FFFFFFF  }
0x98: {  	s18 =	sld [smem:$0x3FDB];
	_ =	sdelay $0x1  }
0x99: {  	s19 =	simm.s32 $_scs_section_size  }
0x9a: {  	s4 =	simm.s32 $_size__tile_overlayer_lowered;
	s5 =	simm.s32 $_tile_overlayer_lowered  }
0x9b: {  	s22 =	simm.s32 $0x1BFF;
	s21 =	sshll.u32 s5, $0x1;
	s2 =	sadd.s32 s19, s18  }
0x9c: {  	s6 =	simm.s32 $0x0;
	s20 =	sshll.u32 s4, $0x1;
	s4 =	sadd.s32 s21, s2  }
0x9d: {  	[timem:s6], [sflag:s22] =	dma.local [hbm:s4], s20  }
0x9e: {  	_ =	swait.ge [sflag:s22], s20  }
0x9f: {  	s3 =	ssub.s32 $0x0, s20;
	[sflag:s22] =	ssyncset.done $0x0  }
0xa0: {  	[sflag:s22] =	ssyncadd.s32 s3;
	_ =	sdelay $0x1  }
0xa1: {  	s23 =	simm.s32 $0x1B8B  }
0xa2: {  	_ =	swait.ge [sflag:s23], $0x1  }
0xa3: {  	[sflag:s23] =	ssyncset.done $0x0  }
0xa4: {  	s25 =	simm.s32 $0x1B8E;
	s24 =	sld [smem:$0x3FFE];
	[sflag:s23] =	ssyncadd.s32 $0xFFFFFFFF  }
0xa5: {  	s26 =	simm.s32 $execute0_lowered;
	[smem:$0x3FD2] =	sst s25  }
0xa6: {  	s4 =	sshll.u32 s26, $0x1;
	_ =	strace $0x80000049;
	[dreg:$0x1] =	wrdreg $0xFFFFFFFF  }
0xa7: {  	s28 =	simm.s32 $_size_execute0_lowered;
	s2 =	sadd.s32 s2, s4;
	[dreg:$0x0] =	wrdreg $0x0  }
0xa8: {  	s4 =	sshll.u32 s28, $0x1;
	[dreg:$0x2] =	wrdreg s2  }
0xa9: {  	[dreg:$0x3] =	wrdreg s4  }
0xaa: {  	[dreg:$0x4] =	wrdreg $0xC0  }
0xab: {  	_ =	task [dreg:s6], $0x5FFFF  }
0xac: {  	[dreg:$0x1] =	wrdreg $0xFFFFFFFF  }
0xad: {  	[dreg:$0x0] =	wrdreg $0x60  }
0xae: {  	[dreg:$0x2] =	wrdreg s24  }
0xaf: {  	[dreg:$0x3] =	wrdreg $0x97000  }
0xb0: {  	[dreg:$0x4] =	wrdreg $0x9  }
0xb1: {  	_ =	task.clear_ibuf [dreg:s6], $0x5FFFF;
	_ =	strace $0x90000049  }
0xb2: {  	s29 =	simm.s32 $0x9;
	_ =	strace $0x8000004B  }
0xb3: {  	_ =	swait.ge [sflag:s29], $0x1  }
0xb4: {  	[sflag:s29] =	ssyncadd.s32 $0xFFFFFFFF  }
0xb5: {  	_ =	strace $0x9000004B  }
0xb6: {  	_ =	sfence  }
0xb7: {  	s30 =	sld [smem:$0x0];
	_ =	sdelay $0x2  }
0xb8: {  	s31 =	sshll.u32 s1, $0xD;
	s1 =	sshrl.u32 s1, $0x2  }
0xb9: {  	s3 =	sand.u32 $0x4000, s31;
	s1 =	sadd.s32 s1, s30  }
0xba: {  	s0 =	sor.u32 s3, s0;
	s1 =	sshll.u32 s1, $0x11  }
0xbb: {  	s0 =	sor.u32 s1, s0  }
0xbc: {  	s0 =	sadd.s32 $0x8F2B, s0  }
0xbd: {  	[sflag:s0] =	ssyncadd.remote.s32 $0x1  }
0xbe: {  	_ =	sfence.sel $0xFFFF  }
0xbf: {  	[dreg:$0x0] =	wrdreg $0xFFFFFFFF;
	(pc) =	sbr.abs _section_cstart, $3  }
0xc0: {  	[dreg:$0x1] =	wrdreg $0xFFFFFFFF  }
0xc1: {  	_ =	task.clear_ibuf [dreg:s6], $0x2FFFF;
	_ =	strace $0x9FFFFFFF  }
0xc2: {  	(tm) =	ssettm $0x7FFFFFFF  }
0xc3: {  	_ =	shalt  }
tec
execute0_lowered:
.L_overlay_start_1:
0x0: {  	(tag) =	ssettag $0x1  }
0x1: {  	s5 =	rddreg [dreg:$0x0]  }
0x2: {  	s2 =	rddreg [dreg:$0x1]  }
0x3: {  	s0 =	rddreg [dreg:$0x2];
	s4 =	srdreg.scid  }
0x4: {  	s1 =	stileid.u32;
	s3 =	simm.s32 $0x0;
	s15 =	simm.s32 $0x2  }
0x5: {  	s16 =	simm.s32 $0x80;
	s17 =	simm.s32 $0x1;
	s7 =	smul.u32 $0x14000, s1  }
0x6: {  	s6 =	sand.u32 $0x1, s4;
	[smem:$0x7FF] =	sst s3;
	s11 =	smul.u32 $0x50000, s1  }
0x7: {  	s18 =	sshll.u32 s1, $0x6;
	s4 =	sshll.u32 s6, $0x4;
	s8 =	smul.u32 $0x140000, s6  }
0x8: {  	_ =	strace $0x8000004A;
	s10 =	ssub.s32 $0x2, s6;
	p0 =	seq.s32 s6, $0x0  }
0x9: {  	s18 =	sor.u32 $0x1C02, s18;
	s9 =	sor.u32 s1, s4;
	s4 =	sadd.s32 $0x71000, s5  }
0xa: {  	s29 =	sshrl.u32 s10, $0x1;
	s30 =	sshrl.u32 s11, $0x2;
	s6 =	sadd.s32 s7, s2  }
0xb: {  	s9 =	smul.u32 $0xAE0, s9;
	s8 =	sadd.s32 s7, s8;
	s14 =	ssub.s32 s10, s29  }
0xc: {  	s31 =	sadd.s32 s30, s2;
	s19 =	sshrl.u32 s6, $0x3;
	s8 =	sshrl.u32 s8, $0x3  }
0xd: {  	s7 =	sadd.s32 $0x4000, s31;
	s10 =	sadd.s32 $0x10000, s31;
	s12 =	sadd.s32 s9, s5  }
0xe: {  	s13 =	sadd.s32 s8, s5;
	s5 =	simm.s32 $0x57;
	s8 =	sadd.s32 $0x8000, s31  }
0xf: {  	s9 =	sadd.s32 $0xC000, s31;
	s5 =	simm.s32 @!p0 $0x46;
	s11 =	sadd.s32 $0xB400, s12  }
0x10: {  	v0 =	vimm.f32 $0.0e+00;
	s12 =	sadd.s32 $0x99000, s13;
	s13 =	smax.u32 s14, $0x1;
	s14 =	simm.s32 $0x5700  }
.LBB2_1:
0x11: {  	s20 =	simm.s32 $0x0;
	s21 =	simm.s32 $0x200  }
.LBB2_2:
0x12: {  	p0 =	sne.s32 s21, $0xFE00;
	[tilespmem:s20+$0x5770] =	vst v0  }
0x13: {  	[tilespmem:s20+$0x5700] =	vst v0  }
0x14: {  	[tilespmem:s20+$0x5710] =	vst v0  }
.Ltmp0:
0x15: {  	[tilespmem:s20+$0x5720] =	vst v0;
	(pc) =	sbr.rel @p0 .LBB2_2-.Ltmp0, $4  }
0x16: {  	[tilespmem:s20+$0x5730] =	vst v0  }
0x17: {  	[tilespmem:s20+$0x5740] =	vst v0  }
0x18: {  	[tilespmem:s20+$0x5750] =	vst v0  }
0x19: {  	[tilespmem:s20+$0x5760] =	vst v0;
	s20 =	sshra.s32 s21, $0x2;
	s21 =	sadd.s32 $0x200, s21  }
0x1a: {  	[tilespmem:s20+$0x5770] =	vst v0  }
0x1b: {  	[tilespmem:s20+$0x5700] =	vst v0  }
0x1c: {  	[tilespmem:s20+$0x5710] =	vst v0  }
0x1d: {  	[tilespmem:s20+$0x5720] =	vst v0  }
0x1e: {  	[tilespmem:s20+$0x5730] =	vst v0  }
0x1f: {  	[tilespmem:s20+$0x5740] =	vst v0  }
0x20: {  	[tilespmem:s20+$0x5750] =	vst v0  }
0x21: {  	[tilespmem:s20+$0x5760] =	vst v0  }
0x22: {  	[spmem:s6] =	stream.linear.scatter [tilespmem:s14], [sflag:$0x2], $0x4000, $0x38;
	[tilespmem:$0x1D700] =	vst v63  }
0x23: {  	_ =	swait.ge [sflag:s15], $0x4000  }
0x24: {  	[sflag:s15] =	ssyncset.done $0x0  }
0x25: {  	[sflag:s15] =	ssyncadd.s32 $0xFFFFC000  }
0x26: {  	[spmem:s7] =	stream.linear.scatter [tilespmem:s14], [sflag:$0x2], $0x4000, $0x38;
	[tilespmem:$0x1D700] =	vst v63  }
0x27: {  	_ =	swait.ge [sflag:s15], $0x4000  }
0x28: {  	[sflag:s15] =	ssyncset.done $0x0  }
0x29: {  	[sflag:s15] =	ssyncadd.s32 $0xFFFFC000  }
0x2a: {  	[spmem:s8] =	stream.linear.scatter [tilespmem:s14], [sflag:$0x2], $0x4000, $0x38;
	[tilespmem:$0x1D700] =	vst v63  }
0x2b: {  	_ =	swait.ge [sflag:s15], $0x4000  }
0x2c: {  	[sflag:s15] =	ssyncset.done $0x0  }
0x2d: {  	[sflag:s15] =	ssyncadd.s32 $0xFFFFC000  }
0x2e: {  	[spmem:s9] =	stream.linear.scatter [tilespmem:s14], [sflag:$0x2], $0x4000, $0x38;
	[tilespmem:$0x1D700] =	vst v63  }
0x2f: {  	_ =	swait.ge [sflag:s15], $0x4000  }
0x30: {  	[sflag:s15] =	ssyncset.done $0x0  }
0x31: {  	[sflag:s15] =	ssyncadd.s32 $0xFFFFC000  }
0x32: {  	[spmem:s10] =	stream.linear.scatter [tilespmem:s14], [sflag:$0x2], $0x4000, $0x38;
	[tilespmem:$0x1D700] =	vst v63  }
0x33: {  	_ =	swait.ge [sflag:s15], $0x4000  }
0x34: {  	[sflag:s15] =	ssyncset.done $0x0  }
0x35: {  	[sflag:s15] =	ssyncadd.s32 $0xFFFFC000  }
0x36: {  	s20 =	simm.s32 $0x0;
	[bflag:$0x0] =	sbarrier.arrive $0xFFFF  }
0x37: {  	[tilespmem:s20], [sflag:$0x2] =	stream.linear.gather [hbm4b:s11+s20], $0x5700, $0x38;
	[tilespmem:$0x1D700] =	vst v63  }
0x38: {  	_ =	swait.ge [sflag:s15], $0x5700  }
0x39: {  	[sflag:s15] =	ssyncset.done $0x0  }
0x3a: {  	[sflag:s15] =	ssyncadd.s32 $0xFFFFA900  }
0x3b: {  	[tilespmem:s14], [sflag:$0x1] =	stream.indirect.gather [hbm4b:s4+s16], $0x80, s20, s16, $0xb8;
	[tilespmem:$0x1D700] =	vst v63  }
0x3c: {  	p0 =	sne.s32 s5, $0x1;
	_ =	swait.ge [sflag:s17], $0x4000  }
.Ltmp1:
0x3d: {  	[sflag:s17] =	ssyncset.done $0x0;
	(pc) =	sbr.rel @!p0 .LBB2_5-.Ltmp1, $4  }
0x3e: {  	s21 =	simm.s32 $0x80;
	[sflag:s17] =	ssyncadd.s32 $0xFFFFC000  }
0x3f: {  	[spmem:s2] =	stream.indirect.scatter.add.f32 [tilespmem:s14], [sflag:$0x2], $0x80, s21, s16, $0xb8;
	[tilespmem:$0x1D700] =	vst v63  }
0x40: {  	_ =	swait.ge [sflag:s15], $0x4000  }
0x41: {  	s21 =	sadd.s32 $0xFFFFFFFF, s5;
	[sflag:s15] =	ssyncset.done $0x0  }
.LBB2_4:
0x42: {  	p0 =	sne.s32 s21, $0x1;
	[sflag:s15] =	ssyncadd.s32 $0xFFFFC000;
	s20 =	sadd.s32 $0x100, s20  }
0x43: {  	[tilespmem:s14], [sflag:$0x1] =	stream.indirect.gather [hbm4b:s4+s16], $0x80, s20, s16, $0xb8;
	[tilespmem:$0x1D700] =	vst v63  }
0x44: {  	s21 =	sadd.s32 $0xFFFFFFFF, s21;
	_ =	swait.ge [sflag:s17], $0x4000  }
.Ltmp2:
0x45: {  	[sflag:s17] =	ssyncset.done $0x0;
	(pc) =	sbr.rel @p0 .LBB2_4-.Ltmp2, $4  }
0x46: {  	s22 =	sadd.s32 $0x80, s20;
	[sflag:s17] =	ssyncadd.s32 $0xFFFFC000  }
0x47: {  	[spmem:s2] =	stream.indirect.scatter.add.f32 [tilespmem:s14], [sflag:$0x2], $0x80, s22, s16, $0xb8;
	[tilespmem:$0x1D700] =	vst v63  }
0x48: {  	_ =	swait.ge [sflag:s15], $0x4000  }
0x49: {  	[sflag:s15] =	ssyncset.done $0x0  }
.LBB2_5:
0x4a: {  	s3 =	sadd.s32 $0x1, s3  }
0x4b: {  	[sflag:s15] =	ssyncadd.s32 $0xFFFFC000;
	p0 =	sne.s32 s3, s13  }
.Ltmp3:
0x4c: {  	[bflag:$0x0] =	sbarrier.arrive $0xFFFF;
	(pc) =	sbr.rel @p0 .LBB2_1-.Ltmp3, $4  }
0x4d: {  	[hbm:s12], [sflag:s18] =	dma.local [spmem:s19], $0x2800  }
0x4e: {  	_ =	swait.ge [sflag:s15], $0x2800  }
0x4f: {  	[sflag:s15] =	ssyncset.done $0x0  }
0x50: {  	[sflag:s15] =	ssyncadd.s32 $0xFFFFD800  }
0x51: {  	_ =	sfence.sel $0x180000  }
0x52: {  	[bflag:$0x0] =	sbarrier.arrive $0xFFFF  }
0x53: {  	p0 =	sne.s32 s1, $0x0;
	_ =	strace $0x9000004A  }
0x54: {  	s0 =	sadd.s32 @!p0 $0x100000, s0;
	[bflag:$0x2] =	sbarrier.arrive $0xFFFF  }
0x55: {  	[sflag:s0] =	ssyncadd.tile.s32 @!p0 $0x1;
	_ =	shalt  }
.Lfunc_end2:
_tile_overlayer_lowered:
.L_overlay_start_2:
0x56: {  	(tag) =	ssettag $0x2  }
0x57: {  	s0 =	rddreg [dreg:$0x0];
	s2 =	stileid.u32  }
0x58: {  	s1 =	rddreg [dreg:$0x1];
	p0 =	sne.s32 s2, $0x0  }
0x59: {  	s3 =	rddreg [dreg:$0x2];
	[bflag:$0x3] =	sbarrier.arrive $0xFFFF;
	s2 =	simm.s32 @!p0 $0x1C02  }
0x5a: {  	[timem:s3], [sflag:s2] =	dma.local @!p0 [hbm:s0], s1  }
0x5b: {  	s0 =	simm.s32 @!p0 $0x2  }
0x5c: {  	_ =	swait.ge @!p0 [sflag:s0], s1  }
0x5d: {  	s1 =	ssub.s32 @!p0 $0x0, s1;
	[sflag:s0] =	ssyncset.done @!p0 $0x0  }
0x5e: {  	[sflag:s0] =	ssyncadd.s32 @!p0 s1  }
0x5f: {  	[bflag:$0x3] =	sbarrier.arrive $0xFFFF  }
0x60: {  	_ =	shalt  }

// kernel: _gcn.14.cloned.1.call-start
scs
__scs_entry_jumppad:
0x0: {  	(pc) =	sbr.rel $0x88, $3  }
0x1: {  	(tag) =	ssettag $0x0;
	lr =	simm.s32 $0x1  }
0x2: {  	[smem:$0x3F9B] =	sst lr;
	_ =	strace $0xD0000000  }
0x3: {  	_ = 	snop  }
0x4: {  	_ = 	snop  }
0x5: {  	_ = 	snop  }
0x6: {  	_ = 	snop  }
0x7: {  	_ = 	snop  }
__scs_overlays_trampoline_lowered:
0x8: {  	[smem:$0x3FAA] =	sst s0  }
0x9: {  	[smem:$0x3FAB] =	sst s1  }
0xa: {  	[smem:$0x3FAC] =	sst s2  }
0xb: {  	[smem:$0x3FAD] =	sst s3  }
0xc: {  	[smem:$0x3FAE] =	sst s4  }
0xd: {  	[smem:$0x3FAF] =	sst s5  }
0xe: {  	[smem:$0x3FB0] =	sst s6  }
0xf: {  	[smem:$0x3FB1] =	sst s7  }
0x10: {  	[smem:$0x3FB2] =	sst s8  }
0x11: {  	[smem:$0x3FB3] =	sst s9;
	s0 =	simm.s32 @!p0 $0x0  }
0x12: {  	s1 =	sld [smem:$0x3F99];
	s0 =	simm.s32 @p0 $0x1  }
0x13: {  	[smem:$0x3FB4] =	sst s0;
	s0 =	simm.s32 @!p1 $0x0  }
0x14: {  	s2 =	sld [smem:$0x3F98];
	s0 =	simm.s32 @p1 $0x1  }
0x15: {  	[smem:$0x3FB5] =	sst s0;
	s0 =	simm.s32 @!p2 $0x0  }
0x16: {  	s3 =	sld [smem:$0x3FDB];
	s0 =	simm.s32 @p2 $0x1  }
0x17: {  	s4 =	simm.s32 $0x1BF5;
	[smem:$0x3FB7] =	sst s0  }
0x18: {  	s0 =	sld [smem:$0x3F9A];
	_ =	swait.ge [sflag:s4], $0x0  }
0x19: {  	s7 =	sld [smem:$0x3F9B]  }
0x1a: {  	s8 =	sadd.s32 $0xFFFFE003, lr  }
0x1b: {  	s9 =	sadd.s32 $0xFFFFFEF7, lr;
	s5 =	simm.s32 $0xFFFFFFFF;
	p2 =	slt.u32 s8, $0xFFFFF086  }
0x1c: {  	p1 =	slt.u32 s9, $0xF7A;
	s5 =	simm.s32 @!p2 $0x0  }
0x1d: {  	s5 =	simm.s32 @p1 $0x1;
	p0 =	seq.s32 s7, s2  }
0x1e: {  	s7 =	smul.u32 @!p0 $0xF7A, s2;
	p2 =	seq.s32 @!p0 s5, $0x0  }
0x1f: {  	s9 =	smul.u32 $0xF7A, s1;
	s8 =	simm.s32 @!p0 $0x1BF5;
	p2 =	por !p2, p0  }
0x20: {  	[sflag:s8] =	ssyncset.s32 @!p0 $0xFFFFF086;
	s6 =	sadd.s32 @!p0 s3, s7;
	s7 =	simm.s32 @!p0 $0x108  }
0x21: {  	s3 =	sadd.s32 s3, s9;
	s6 =	sadd.s32 @!p0 $0x88, s6;
	s7 =	simm.s32 @p2 $0x1082  }
0x22: {  	[simem:s7], [sflag:s8] =	dma.local @!p0 [hbm:s6], $0xF7A  }
0x23: {  	s9 =	sor.u32 $0xD0000000, s2;
	s6 =	simm.s32 $0x108;
	_ =	swait.ge @!p0 [sflag:s8], $0x0  }
0x24: {  	s3 =	sadd.s32 $0x88, s3;
	s6 =	simm.s32 @!p1 $0x1082;
	[sflag:s4] =	ssyncset.s32 $0xFFFFF086  }
0x25: {  	[simem:s6], [sflag:s4] =	dma.local [hbm:s3], $0xF7A  }
0x26: {  	[smem:$0x3F9B] =	sst s1;
	(tag) =	ssettag s2;
	_ =	strace s9  }
0x27: {  	s1 =	sld [smem:$0x3FAB]  }
0x28: {  	s2 =	sld [smem:$0x3FAC]  }
0x29: {  	s4 =	sld [smem:$0x3FAE]  }
0x2a: {  	p0 =	seq.s32 s5, $0x0;
	s5 =	sld [smem:$0x3FAF]  }
0x2b: {  	s6 =	sld [smem:$0x3FB0]  }
0x2c: {  	s7 =	sld [smem:$0x3FB1]  }
0x2d: {  	s3 =	simm.s32 $0x108;
	s8 =	sld [smem:$0x3FB2]  }
0x2e: {  	s3 =	simm.s32 @!p0 $0x1082;
	s9 =	sld [smem:$0x3FB3]  }
0x2f: {  	lr =	sadd.s32 s0, s3;
	s0 =	sld [smem:$0x3FAA]  }
0x30: {  	s3 =	sld [smem:$0x3FAD]  }
0x31: {  	[smem:$0x3FB6] =	sst s10  }
0x32: {  	s10 =	sld [smem:$0x3FB4];
	_ =	sdelay $0x3  }
0x33: {  	p0 =	seq.s32 s10, $0x1;
	s10 =	sld [smem:$0x3FB6];
	_ =	sdelay $0x3  }
0x34: {  	[smem:$0x3FB6] =	sst s10  }
0x35: {  	s10 =	sld [smem:$0x3FB5];
	_ =	sdelay $0x3  }
0x36: {  	p1 =	seq.s32 s10, $0x1;
	s10 =	sld [smem:$0x3FB6];
	_ =	sdelay $0x3  }
0x37: {  	[smem:$0x3FB6] =	sst s10  }
0x38: {  	s10 =	sld [smem:$0x3FB7]  }
0x39: {  	_ = 	snop;
	(pc) =	sbr.ind lr, $3  }
0x3a: {  	_ = 	snop  }
0x3b: {  	_ = 	snop  }
0x3c: {  	p2 =	seq.s32 s10, $0x1;
	s10 =	sld [smem:$0x3FB6]  }
0x3d: {  	_ =	shalt  }
0x3e: {  	_ =	shalt  }
0x3f: {  	_ =	shalt  }
0x40: {  	_ =	shalt  }
0x41: {  	_ =	shalt  }
0x42: {  	_ =	shalt  }
0x43: {  	_ =	shalt  }
0x44: {  	_ =	shalt  }
0x45: {  	_ =	shalt  }
0x46: {  	_ =	shalt  }
0x47: {  	_ =	shalt  }
0x48: {  	_ =	shalt  }
0x49: {  	_ =	shalt  }
0x4a: {  	_ =	shalt  }
0x4b: {  	_ =	shalt  }
0x4c: {  	_ =	shalt  }
0x4d: {  	_ =	shalt  }
0x4e: {  	_ =	shalt  }
0x4f: {  	_ =	shalt  }
0x50: {  	_ =	shalt  }
0x51: {  	_ =	shalt  }
0x52: {  	_ =	shalt  }
0x53: {  	_ =	shalt  }
0x54: {  	_ =	shalt  }
0x55: {  	_ =	shalt  }
0x56: {  	_ =	shalt  }
0x57: {  	_ =	shalt  }
0x58: {  	_ =	shalt  }
0x59: {  	_ =	shalt  }
0x5a: {  	_ =	shalt  }
0x5b: {  	_ =	shalt  }
0x5c: {  	_ =	shalt  }
0x5d: {  	_ =	shalt  }
0x5e: {  	_ =	shalt  }
0x5f: {  	_ =	shalt  }
0x60: {  	_ =	shalt  }
0x61: {  	_ =	shalt  }
0x62: {  	_ =	shalt  }
0x63: {  	_ =	shalt  }
0x64: {  	_ =	shalt  }
0x65: {  	_ =	shalt  }
0x66: {  	_ =	shalt  }
0x67: {  	_ =	shalt  }
0x68: {  	_ =	shalt  }
0x69: {  	_ =	shalt  }
0x6a: {  	_ =	shalt  }
0x6b: {  	_ =	shalt  }
0x6c: {  	_ =	shalt  }
0x6d: {  	_ =	shalt  }
0x6e: {  	_ =	shalt  }
0x6f: {  	_ =	shalt  }
0x70: {  	_ =	shalt  }
0x71: {  	_ =	shalt  }
0x72: {  	_ =	shalt  }
0x73: {  	_ =	shalt  }
0x74: {  	_ =	shalt  }
0x75: {  	_ =	shalt  }
0x76: {  	_ =	shalt  }
0x77: {  	_ =	shalt  }
0x78: {  	_ =	shalt  }
0x79: {  	_ =	shalt  }
0x7a: {  	_ =	shalt  }
0x7b: {  	_ =	shalt  }
0x7c: {  	_ =	shalt  }
0x7d: {  	_ =	shalt  }
0x7e: {  	_ =	shalt  }
0x7f: {  	_ =	shalt  }
0x80: {  	_ =	shalt  }
0x81: {  	_ =	shalt  }
0x82: {  	_ =	shalt  }
0x83: {  	_ =	shalt  }
0x84: {  	_ =	shalt  }
0x85: {  	_ =	shalt  }
0x86: {  	_ =	shalt  }
0x87: {  	_ =	shalt  }
.Lfunc_end0:
.L_simem_size_0:
called_computation.2_lowered:
.L_overlay_start_0:
0x88: {  	s2 =	sld [smem:$0x3FD9]  }
0x89: {  	s3 =	sld [smem:$0x3FFE];
	_ =	sdelay $0x1  }
0x8a: {  	s1 =	srdreg.scid  }
0x8b: {  	s0 =	sand.u32 $0x1, s1  }
0x8c: {  	s16 =	sshll.u32 s0, $0xA;
	s2 =	sadd.s32 s3, s2  }
0x8d: {  	s2 =	sadd.s32 s2, s16  }
0x8e: {  	[smem:$0x3FC2] =	sst s2  }
0x8f: {  	_ = 	snop  }
0x90: {  	(tm) =	ssettm $0x1  }
0x91: {  	s17 =	sld [smem:$0x3FFB];
	_ =	sdelay $0x3  }
0x92: {  	_ =	strace s17  }
0x93: {  	s2 =	sld [smem:$0x3FFC];
	_ =	sdelay $0x3  }
0x94: {  	_ =	strace s2  }
0x95: {  	s2 =	sld [smem:$0x3FFD];
	_ =	sdelay $0x3  }
0x96: {  	_ =	strace s2  }
0x97: {  	_ =	strace $0x8FFFFFFF  }
0x98: {  	s18 =	sld [smem:$0x3FDB];
	_ =	sdelay $0x1  }
0x99: {  	s19 =	simm.s32 $_scs_section_size  }
0x9a: {  	s4 =	simm.s32 $_size__tile_overlayer_lowered;
	s5 =	simm.s32 $_tile_overlayer_lowered  }
0x9b: {  	s22 =	simm.s32 $0x1BFF;
	s21 =	sshll.u32 s5, $0x1;
	s2 =	sadd.s32 s19, s18  }
0x9c: {  	s6 =	simm.s32 $0x0;
	s20 =	sshll.u32 s4, $0x1;
	s4 =	sadd.s32 s21, s2  }
0x9d: {  	[timem:s6], [sflag:s22] =	dma.local [hbm:s4], s20  }
0x9e: {  	_ =	swait.ge [sflag:s22], s20  }
0x9f: {  	s3 =	ssub.s32 $0x0, s20;
	[sflag:s22] =	ssyncset.done $0x0  }
0xa0: {  	[sflag:s22] =	ssyncadd.s32 s3;
	_ =	sdelay $0x1  }
0xa1: {  	s23 =	simm.s32 $0x1B8B  }
0xa2: {  	_ =	swait.ge [sflag:s23], $0x1  }
0xa3: {  	[sflag:s23] =	ssyncset.done $0x0  }
0xa4: {  	s25 =	simm.s32 $0x1B8E;
	s24 =	sld [smem:$0x3FFE];
	[sflag:s23] =	ssyncadd.s32 $0xFFFFFFFF  }
0xa5: {  	s26 =	simm.s32 $execute0_lowered;
	[smem:$0x3FD2] =	sst s25  }
0xa6: {  	s4 =	sshll.u32 s26, $0x1;
	_ =	strace $0x8000004C;
	[dreg:$0x1] =	wrdreg $0xFFFFFFFF  }
0xa7: {  	s28 =	simm.s32 $_size_execute0_lowered;
	s2 =	sadd.s32 s2, s4;
	[dreg:$0x0] =	wrdreg $0x0  }
0xa8: {  	s4 =	sshll.u32 s28, $0x1;
	[dreg:$0x2] =	wrdreg s2  }
0xa9: {  	[dreg:$0x3] =	wrdreg s4  }
0xaa: {  	[dreg:$0x4] =	wrdreg $0xC0  }
0xab: {  	_ =	task [dreg:s6], $0x5FFFF  }
0xac: {  	[dreg:$0x1] =	wrdreg $0xFFFFFFFF  }
0xad: {  	[dreg:$0x0] =	wrdreg $0x60  }
0xae: {  	[dreg:$0x2] =	wrdreg s24  }
0xaf: {  	[dreg:$0x3] =	wrdreg $0x77000  }
0xb0: {  	[dreg:$0x4] =	wrdreg $0x9  }
0xb1: {  	_ =	task.clear_ibuf [dreg:s6], $0x5FFFF;
	_ =	strace $0x9000004C  }
0xb2: {  	s29 =	simm.s32 $0x9;
	_ =	strace $0x8000004E  }
0xb3: {  	_ =	swait.ge [sflag:s29], $0x1  }
0xb4: {  	[sflag:s29] =	ssyncadd.s32 $0xFFFFFFFF  }
0xb5: {  	_ =	strace $0x9000004E  }
0xb6: {  	_ =	sfence  }
0xb7: {  	s30 =	sld [smem:$0x0];
	_ =	sdelay $0x2  }
0xb8: {  	s31 =	sshll.u32 s1, $0xD;
	s1 =	sshrl.u32 s1, $0x2  }
0xb9: {  	s3 =	sand.u32 $0x4000, s31;
	s1 =	sadd.s32 s1, s30  }
0xba: {  	s0 =	sor.u32 s3, s0;
	s1 =	sshll.u32 s1, $0x11  }
0xbb: {  	s0 =	sor.u32 s1, s0  }
0xbc: {  	s0 =	sadd.s32 $0x8F2B, s0  }
0xbd: {  	[sflag:s0] =	ssyncadd.remote.s32 $0x1  }
0xbe: {  	_ =	sfence.sel $0xFFFF  }
0xbf: {  	[dreg:$0x0] =	wrdreg $0xFFFFFFFF;
	(pc) =	sbr.abs _section_cstart, $3  }
0xc0: {  	[dreg:$0x1] =	wrdreg $0xFFFFFFFF  }
0xc1: {  	_ =	task.clear_ibuf [dreg:s6], $0x2FFFF;
	_ =	strace $0x9FFFFFFF  }
0xc2: {  	(tm) =	ssettm $0x7FFFFFFF  }
0xc3: {  	_ =	shalt  }
tec
execute0_lowered:
.L_overlay_start_1:
0x0: {  	(tag) =	ssettag $0x1  }
0x1: {  	s5 =	rddreg [dreg:$0x0]  }
0x2: {  	s2 =	rddreg [dreg:$0x1]  }
0x3: {  	s0 =	rddreg [dreg:$0x2];
	s4 =	srdreg.scid  }
0x4: {  	s1 =	stileid.u32;
	s3 =	simm.s32 $0x0;
	s15 =	simm.s32 $0x2  }
0x5: {  	s16 =	simm.s32 $0x80;
	s17 =	simm.s32 $0x1;
	s7 =	smul.u32 $0xA000, s1  }
0x6: {  	s6 =	sand.u32 $0x1, s4;
	[smem:$0x7FF] =	sst s3;
	s11 =	smul.u32 $0x28000, s1  }
0x7: {  	s18 =	sshll.u32 s1, $0x6;
	s4 =	sshll.u32 s6, $0x4;
	s8 =	smul.u32 $0xA0000, s6  }
0x8: {  	_ =	strace $0x8000004D;
	s10 =	ssub.s32 $0x2, s6;
	p0 =	seq.s32 s6, $0x0  }
0x9: {  	s18 =	sor.u32 $0x1C02, s18;
	s9 =	sor.u32 s1, s4;
	s4 =	sadd.s32 $0x71000, s5  }
0xa: {  	s29 =	sshrl.u32 s10, $0x1;
	s30 =	sshrl.u32 s11, $0x2;
	s6 =	sadd.s32 s7, s2  }
0xb: {  	s9 =	smul.u32 $0xAE0, s9;
	s8 =	sadd.s32 s7, s8;
	s14 =	ssub.s32 s10, s29  }
0xc: {  	s31 =	sadd.s32 s30, s2;
	s19 =	sshrl.u32 s6, $0x3;
	s8 =	sshrl.u32 s8, $0x3  }
0xd: {  	s7 =	sadd.s32 $0x2000, s31;
	s10 =	sadd.s32 $0x8000, s31;
	s12 =	sadd.s32 s9, s5  }
0xe: {  	s13 =	sadd.s32 s8, s5;
	s5 =	simm.s32 $0x57;
	s8 =	sadd.s32 $0x4000, s31  }
0xf: {  	s9 =	sadd.s32 $0x6000, s31;
	s5 =	simm.s32 @!p0 $0x46;
	s11 =	sadd.s32 $0xB400, s12  }
0x10: {  	v0 =	vimm.f32 $0.0e+00;
	s12 =	sadd.s32 $0x85000, s13;
	s13 =	smax.u32 s14, $0x1;
	s14 =	simm.s32 $0x5700  }
.LBB2_1:
0x11: {  	s21 =	simm.s32 $0x100;
	s20 =	simm.s32 $0x0  }
.LBB2_2:
0x12: {  	p0 =	sne.s32 s21, $0x7F00;
	[tilespmem:s20+$0x5730] =	vst v0;
	s22 =	smov.u32 s21;
	s21 =	sadd.s32 $0x100, s21  }
.Ltmp0:
0x13: {  	[tilespmem:s20+$0x5720] =	vst v0;
	(pc) =	sbr.rel @p0 .LBB2_2-.Ltmp0, $3  }
0x14: {  	[tilespmem:s20+$0x5700] =	vst v0  }
0x15: {  	[tilespmem:s20+$0x5710] =	vst v0;
	_ =	sdelay $0x1  }
0x16: {  	s20 =	sshra.s32 s22, $0x2  }
0x17: {  	[tilespmem:s20+$0x5730] =	vst v0  }
0x18: {  	[tilespmem:s20+$0x5720] =	vst v0  }
0x19: {  	[tilespmem:s20+$0x5700] =	vst v0  }
0x1a: {  	[tilespmem:s20+$0x5710] =	vst v0  }
0x1b: {  	[spmem:s6] =	stream.linear.scatter [tilespmem:s14], [sflag:$0x2], $0x2000, $0x38;
	[tilespmem:$0x11700] =	vst v63  }
0x1c: {  	_ =	swait.ge [sflag:s15], $0x2000  }
0x1d: {  	[sflag:s15] =	ssyncset.done $0x0  }
0x1e: {  	[sflag:s15] =	ssyncadd.s32 $0xFFFFE000  }
0x1f: {  	[spmem:s7] =	stream.linear.scatter [tilespmem:s14], [sflag:$0x2], $0x2000, $0x38;
	[tilespmem:$0x11700] =	vst v63  }
0x20: {  	_ =	swait.ge [sflag:s15], $0x2000  }
0x21: {  	[sflag:s15] =	ssyncset.done $0x0  }
0x22: {  	[sflag:s15] =	ssyncadd.s32 $0xFFFFE000  }
0x23: {  	[spmem:s8] =	stream.linear.scatter [tilespmem:s14], [sflag:$0x2], $0x2000, $0x38;
	[tilespmem:$0x11700] =	vst v63  }
0x24: {  	_ =	swait.ge [sflag:s15], $0x2000  }
0x25: {  	[sflag:s15] =	ssyncset.done $0x0  }
0x26: {  	[sflag:s15] =	ssyncadd.s32 $0xFFFFE000  }
0x27: {  	[spmem:s9] =	stream.linear.scatter [tilespmem:s14], [sflag:$0x2], $0x2000, $0x38;
	[tilespmem:$0x11700] =	vst v63  }
0x28: {  	_ =	swait.ge [sflag:s15], $0x2000  }
0x29: {  	[sflag:s15] =	ssyncset.done $0x0  }
0x2a: {  	[sflag:s15] =	ssyncadd.s32 $0xFFFFE000  }
0x2b: {  	[spmem:s10] =	stream.linear.scatter [tilespmem:s14], [sflag:$0x2], $0x2000, $0x38;
	[tilespmem:$0x11700] =	vst v63  }
0x2c: {  	_ =	swait.ge [sflag:s15], $0x2000  }
0x2d: {  	[sflag:s15] =	ssyncset.done $0x0  }
0x2e: {  	[sflag:s15] =	ssyncadd.s32 $0xFFFFE000  }
0x2f: {  	s20 =	simm.s32 $0x0;
	[bflag:$0x0] =	sbarrier.arrive $0xFFFF  }
0x30: {  	[tilespmem:s20], [sflag:$0x2] =	stream.linear.gather [hbm4b:s11+s20], $0x5700, $0x38;
	[tilespmem:$0x11700] =	vst v63  }
0x31: {  	_ =	swait.ge [sflag:s15], $0x5700  }
0x32: {  	[sflag:s15] =	ssyncset.done $0x0  }
0x33: {  	[sflag:s15] =	ssyncadd.s32 $0xFFFFA900  }
0x34: {  	[tilespmem:s14], [sflag:$0x1] =	stream.indirect.gather [hbm4b:s4+s16], $0x40, s20, s16, $0xb8;
	[tilespmem:$0x11700] =	vst v63  }
0x35: {  	p0 =	sne.s32 s5, $0x1;
	_ =	swait.ge [sflag:s17], $0x2000  }
.Ltmp1:
0x36: {  	[sflag:s17] =	ssyncset.done $0x0;
	(pc) =	sbr.rel @!p0 .LBB2_5-.Ltmp1, $4  }
0x37: {  	s21 =	simm.s32 $0x80;
	[sflag:s17] =	ssyncadd.s32 $0xFFFFE000  }
0x38: {  	[spmem:s2] =	stream.indirect.scatter.add.f32 [tilespmem:s14], [sflag:$0x2], $0x40, s21, s16, $0xb8;
	[tilespmem:$0x11700] =	vst v63  }
0x39: {  	_ =	swait.ge [sflag:s15], $0x2000  }
0x3a: {  	s21 =	sadd.s32 $0xFFFFFFFF, s5;
	[sflag:s15] =	ssyncset.done $0x0  }
.LBB2_4:
0x3b: {  	p0 =	sne.s32 s21, $0x1;
	[sflag:s15] =	ssyncadd.s32 $0xFFFFE000;
	s20 =	sadd.s32 $0x100, s20  }
0x3c: {  	[tilespmem:s14], [sflag:$0x1] =	stream.indirect.gather [hbm4b:s4+s16], $0x40, s20, s16, $0xb8;
	[tilespmem:$0x11700] =	vst v63  }
0x3d: {  	s21 =	sadd.s32 $0xFFFFFFFF, s21;
	_ =	swait.ge [sflag:s17], $0x2000  }
.Ltmp2:
0x3e: {  	[sflag:s17] =	ssyncset.done $0x0;
	(pc) =	sbr.rel @p0 .LBB2_4-.Ltmp2, $4  }
0x3f: {  	s22 =	sadd.s32 $0x80, s20;
	[sflag:s17] =	ssyncadd.s32 $0xFFFFE000  }
0x40: {  	[spmem:s2] =	stream.indirect.scatter.add.f32 [tilespmem:s14], [sflag:$0x2], $0x40, s22, s16, $0xb8;
	[tilespmem:$0x11700] =	vst v63  }
0x41: {  	_ =	swait.ge [sflag:s15], $0x2000  }
0x42: {  	[sflag:s15] =	ssyncset.done $0x0  }
.LBB2_5:
0x43: {  	s3 =	sadd.s32 $0x1, s3  }
0x44: {  	[sflag:s15] =	ssyncadd.s32 $0xFFFFE000;
	p0 =	sne.s32 s3, s13  }
.Ltmp3:
0x45: {  	[bflag:$0x0] =	sbarrier.arrive $0xFFFF;
	(pc) =	sbr.rel @p0 .LBB2_1-.Ltmp3, $4  }
0x46: {  	[hbm:s12], [sflag:s18] =	dma.local [spmem:s19], $0x1400  }
0x47: {  	_ =	swait.ge [sflag:s15], $0x1400  }
0x48: {  	[sflag:s15] =	ssyncset.done $0x0  }
0x49: {  	[sflag:s15] =	ssyncadd.s32 $0xFFFFEC00  }
0x4a: {  	_ =	sfence.sel $0x180000  }
0x4b: {  	[bflag:$0x0] =	sbarrier.arrive $0xFFFF  }
0x4c: {  	p0 =	sne.s32 s1, $0x0;
	_ =	strace $0x9000004D  }
0x4d: {  	s0 =	sadd.s32 @!p0 $0x100000, s0;
	[bflag:$0x2] =	sbarrier.arrive $0xFFFF  }
0x4e: {  	[sflag:s0] =	ssyncadd.tile.s32 @!p0 $0x1;
	_ =	shalt  }
.Lfunc_end2:
_tile_overlayer_lowered:
.L_overlay_start_2:
0x4f: {  	(tag) =	ssettag $0x2  }
0x50: {  	s0 =	rddreg [dreg:$0x0];
	s2 =	stileid.u32  }
0x51: {  	s1 =	rddreg [dreg:$0x1];
	p0 =	sne.s32 s2, $0x0  }
0x52: {  	s3 =	rddreg [dreg:$0x2];
	[bflag:$0x3] =	sbarrier.arrive $0xFFFF;
	s2 =	simm.s32 @!p0 $0x1C02  }
0x53: {  	[timem:s3], [sflag:s2] =	dma.local @!p0 [hbm:s0], s1  }
0x54: {  	s0 =	simm.s32 @!p0 $0x2  }
0x55: {  	_ =	swait.ge @!p0 [sflag:s0], s1  }
0x56: {  	s1 =	ssub.s32 @!p0 $0x0, s1;
	[sflag:s0] =	ssyncset.done @!p0 $0x0  }
0x57: {  	[sflag:s0] =	ssyncadd.s32 @!p0 s1  }
0x58: {  	[bflag:$0x3] =	sbarrier.arrive $0xFFFF  }
0x59: {  	_ =	shalt  }

// kernel: _gcn.8.cloned.1.call-start
scs
__scs_entry_jumppad:
0x0: {  	(pc) =	sbr.rel $0x88, $3  }
0x1: {  	(tag) =	ssettag $0x0;
	lr =	simm.s32 $0x1  }
0x2: {  	[smem:$0x3F9B] =	sst lr;
	_ =	strace $0xD0000000  }
0x3: {  	_ = 	snop  }
0x4: {  	_ = 	snop  }
0x5: {  	_ = 	snop  }
0x6: {  	_ = 	snop  }
0x7: {  	_ = 	snop  }
__scs_overlays_trampoline_lowered:
0x8: {  	[smem:$0x3FAA] =	sst s0  }
0x9: {  	[smem:$0x3FAB] =	sst s1  }
0xa: {  	[smem:$0x3FAC] =	sst s2  }
0xb: {  	[smem:$0x3FAD] =	sst s3  }
0xc: {  	[smem:$0x3FAE] =	sst s4  }
0xd: {  	[smem:$0x3FAF] =	sst s5  }
0xe: {  	[smem:$0x3FB0] =	sst s6  }
0xf: {  	[smem:$0x3FB1] =	sst s7  }
0x10: {  	[smem:$0x3FB2] =	sst s8  }
0x11: {  	[smem:$0x3FB3] =	sst s9;
	s0 =	simm.s32 @!p0 $0x0  }
0x12: {  	s1 =	sld [smem:$0x3F99];
	s0 =	simm.s32 @p0 $0x1  }
0x13: {  	[smem:$0x3FB4] =	sst s0;
	s0 =	simm.s32 @!p1 $0x0  }
0x14: {  	s2 =	sld [smem:$0x3F98];
	s0 =	simm.s32 @p1 $0x1  }
0x15: {  	[smem:$0x3FB5] =	sst s0;
	s0 =	simm.s32 @!p2 $0x0  }
0x16: {  	s3 =	sld [smem:$0x3FDB];
	s0 =	simm.s32 @p2 $0x1  }
0x17: {  	s4 =	simm.s32 $0x1BF5;
	[smem:$0x3FB7] =	sst s0  }
0x18: {  	s0 =	sld [smem:$0x3F9A];
	_ =	swait.ge [sflag:s4], $0x0  }
0x19: {  	s7 =	sld [smem:$0x3F9B]  }
0x1a: {  	s8 =	sadd.s32 $0xFFFFE003, lr  }
0x1b: {  	s9 =	sadd.s32 $0xFFFFFEF7, lr;
	s5 =	simm.s32 $0xFFFFFFFF;
	p2 =	slt.u32 s8, $0xFFFFF086  }
0x1c: {  	p1 =	slt.u32 s9, $0xF7A;
	s5 =	simm.s32 @!p2 $0x0  }
0x1d: {  	s5 =	simm.s32 @p1 $0x1;
	p0 =	seq.s32 s7, s2  }
0x1e: {  	s7 =	smul.u32 @!p0 $0xF7A, s2;
	p2 =	seq.s32 @!p0 s5, $0x0  }
0x1f: {  	s9 =	smul.u32 $0xF7A, s1;
	s8 =	simm.s32 @!p0 $0x1BF5;
	p2 =	por !p2, p0  }
0x20: {  	[sflag:s8] =	ssyncset.s32 @!p0 $0xFFFFF086;
	s6 =	sadd.s32 @!p0 s3, s7;
	s7 =	simm.s32 @!p0 $0x108  }
0x21: {  	s3 =	sadd.s32 s3, s9;
	s6 =	sadd.s32 @!p0 $0x88, s6;
	s7 =	simm.s32 @p2 $0x1082  }
0x22: {  	[simem:s7], [sflag:s8] =	dma.local @!p0 [hbm:s6], $0xF7A  }
0x23: {  	s9 =	sor.u32 $0xD0000000, s2;
	s6 =	simm.s32 $0x108;
	_ =	swait.ge @!p0 [sflag:s8], $0x0  }
0x24: {  	s3 =	sadd.s32 $0x88, s3;
	s6 =	simm.s32 @!p1 $0x1082;
	[sflag:s4] =	ssyncset.s32 $0xFFFFF086  }
0x25: {  	[simem:s6], [sflag:s4] =	dma.local [hbm:s3], $0xF7A  }
0x26: {  	[smem:$0x3F9B] =	sst s1;
	(tag) =	ssettag s2;
	_ =	strace s9  }
0x27: {  	s1 =	sld [smem:$0x3FAB]  }
0x28: {  	s2 =	sld [smem:$0x3FAC]  }
0x29: {  	s4 =	sld [smem:$0x3FAE]  }
0x2a: {  	p0 =	seq.s32 s5, $0x0;
	s5 =	sld [smem:$0x3FAF]  }
0x2b: {  	s6 =	sld [smem:$0x3FB0]  }
0x2c: {  	s7 =	sld [smem:$0x3FB1]  }
0x2d: {  	s3 =	simm.s32 $0x108;
	s8 =	sld [smem:$0x3FB2]  }
0x2e: {  	s3 =	simm.s32 @!p0 $0x1082;
	s9 =	sld [smem:$0x3FB3]  }
0x2f: {  	lr =	sadd.s32 s0, s3;
	s0 =	sld [smem:$0x3FAA]  }
0x30: {  	s3 =	sld [smem:$0x3FAD]  }
0x31: {  	[smem:$0x3FB6] =	sst s10  }
0x32: {  	s10 =	sld [smem:$0x3FB4];
	_ =	sdelay $0x3  }
0x33: {  	p0 =	seq.s32 s10, $0x1;
	s10 =	sld [smem:$0x3FB6];
	_ =	sdelay $0x3  }
0x34: {  	[smem:$0x3FB6] =	sst s10  }
0x35: {  	s10 =	sld [smem:$0x3FB5];
	_ =	sdelay $0x3  }
0x36: {  	p1 =	seq.s32 s10, $0x1;
	s10 =	sld [smem:$0x3FB6];
	_ =	sdelay $0x3  }
0x37: {  	[smem:$0x3FB6] =	sst s10  }
0x38: {  	s10 =	sld [smem:$0x3FB7]  }
0x39: {  	_ = 	snop;
	(pc) =	sbr.ind lr, $3  }
0x3a: {  	_ = 	snop  }
0x3b: {  	_ = 	snop  }
0x3c: {  	p2 =	seq.s32 s10, $0x1;
	s10 =	sld [smem:$0x3FB6]  }
0x3d: {  	_ =	shalt  }
0x3e: {  	_ =	shalt  }
0x3f: {  	_ =	shalt  }
0x40: {  	_ =	shalt  }
0x41: {  	_ =	shalt  }
0x42: {  	_ =	shalt  }
0x43: {  	_ =	shalt  }
0x44: {  	_ =	shalt  }
0x45: {  	_ =	shalt  }
0x46: {  	_ =	shalt  }
0x47: {  	_ =	shalt  }
0x48: {  	_ =	shalt  }
0x49: {  	_ =	shalt  }
0x4a: {  	_ =	shalt  }
0x4b: {  	_ =	shalt  }
0x4c: {  	_ =	shalt  }
0x4d: {  	_ =	shalt  }
0x4e: {  	_ =	shalt  }
0x4f: {  	_ =	shalt  }
0x50: {  	_ =	shalt  }
0x51: {  	_ =	shalt  }
0x52: {  	_ =	shalt  }
0x53: {  	_ =	shalt  }
0x54: {  	_ =	shalt  }
0x55: {  	_ =	shalt  }
0x56: {  	_ =	shalt  }
0x57: {  	_ =	shalt  }
0x58: {  	_ =	shalt  }
0x59: {  	_ =	shalt  }
0x5a: {  	_ =	shalt  }
0x5b: {  	_ =	shalt  }
0x5c: {  	_ =	shalt  }
0x5d: {  	_ =	shalt  }
0x5e: {  	_ =	shalt  }
0x5f: {  	_ =	shalt  }
0x60: {  	_ =	shalt  }
0x61: {  	_ =	shalt  }
0x62: {  	_ =	shalt  }
0x63: {  	_ =	shalt  }
0x64: {  	_ =	shalt  }
0x65: {  	_ =	shalt  }
0x66: {  	_ =	shalt  }
0x67: {  	_ =	shalt  }
0x68: {  	_ =	shalt  }
0x69: {  	_ =	shalt  }
0x6a: {  	_ =	shalt  }
0x6b: {  	_ =	shalt  }
0x6c: {  	_ =	shalt  }
0x6d: {  	_ =	shalt  }
0x6e: {  	_ =	shalt  }
0x6f: {  	_ =	shalt  }
0x70: {  	_ =	shalt  }
0x71: {  	_ =	shalt  }
0x72: {  	_ =	shalt  }
0x73: {  	_ =	shalt  }
0x74: {  	_ =	shalt  }
0x75: {  	_ =	shalt  }
0x76: {  	_ =	shalt  }
0x77: {  	_ =	shalt  }
0x78: {  	_ =	shalt  }
0x79: {  	_ =	shalt  }
0x7a: {  	_ =	shalt  }
0x7b: {  	_ =	shalt  }
0x7c: {  	_ =	shalt  }
0x7d: {  	_ =	shalt  }
0x7e: {  	_ =	shalt  }
0x7f: {  	_ =	shalt  }
0x80: {  	_ =	shalt  }
0x81: {  	_ =	shalt  }
0x82: {  	_ =	shalt  }
0x83: {  	_ =	shalt  }
0x84: {  	_ =	shalt  }
0x85: {  	_ =	shalt  }
0x86: {  	_ =	shalt  }
0x87: {  	_ =	shalt  }
.Lfunc_end0:
.L_simem_size_0:
called_computation_lowered:
.L_overlay_start_0:
0x88: {  	s2 =	sld [smem:$0x3FD9]  }
0x89: {  	s3 =	sld [smem:$0x3FFE];
	_ =	sdelay $0x1  }
0x8a: {  	s1 =	srdreg.scid  }
0x8b: {  	s0 =	sand.u32 $0x1, s1  }
0x8c: {  	s17 =	sshll.u32 s0, $0xA;
	s2 =	sadd.s32 s3, s2  }
0x8d: {  	s2 =	sadd.s32 s2, s17  }
0x8e: {  	[smem:$0x3FC2] =	sst s2  }
0x8f: {  	_ = 	snop  }
0x90: {  	s2 =	sld [smem:$0x3FD0];
	(tm) =	ssettm $0x1  }
0x91: {  	s18 =	sld [smem:$0x3FFB];
	_ =	sdelay $0x3  }
0x92: {  	_ =	strace s18  }
0x93: {  	s3 =	sld [smem:$0x3FFC];
	_ =	sdelay $0x3  }
0x94: {  	_ =	strace s3  }
0x95: {  	s3 =	sld [smem:$0x3FFD];
	_ =	sdelay $0x3  }
0x96: {  	_ =	strace s3  }
0x97: {  	_ =	strace $0x8FFFFFFF  }
0x98: {  	s19 =	sld [smem:$0x3FDB];
	_ =	sdelay $0x1  }
0x99: {  	s4 =	simm.s32 $_scs_section_size  }
0x9a: {  	s5 =	simm.s32 $_size__tile_overlayer_lowered;
	s6 =	simm.s32 $_tile_overlayer_lowered  }
0x9b: {  	s22 =	simm.s32 $0x1BFF;
	s21 =	sshll.u32 s6, $0x1;
	s3 =	sadd.s32 s4, s19  }
0x9c: {  	s7 =	simm.s32 $0x0;
	s20 =	sshll.u32 s5, $0x1;
	s5 =	sadd.s32 s21, s3  }
0x9d: {  	[timem:s7], [sflag:s22] =	dma.local [hbm:s5], s20  }
0x9e: {  	_ =	swait.ge [sflag:s22], s20  }
0x9f: {  	s4 =	ssub.s32 $0x0, s20;
	[sflag:s22] =	ssyncset.done $0x0  }
0xa0: {  	[sflag:s22] =	ssyncadd.s32 s4;
	_ =	sdelay $0x1  }
0xa1: {  	s23 =	simm.s32 $0x1B8B  }
0xa2: {  	_ =	swait.ge [sflag:s23], $0x1  }
0xa3: {  	[sflag:s23] =	ssyncset.done $0x0  }
0xa4: {  	s25 =	simm.s32 $0x1B8E;
	s24 =	sld [smem:$0x3FFE];
	[sflag:s23] =	ssyncadd.s32 $0xFFFFFFFF  }
0xa5: {  	s26 =	simm.s32 $execute0_lowered;
	[smem:$0x3FD2] =	sst s25  }
0xa6: {  	s5 =	sshll.u32 s26, $0x1;
	_ =	strace $0x80000046;
	[dreg:$0x1] =	wrdreg $0xFFFFFFFF  }
0xa7: {  	s28 =	simm.s32 $_size_execute0_lowered;
	s3 =	sadd.s32 s3, s5;
	[dreg:$0x0] =	wrdreg $0x0  }
0xa8: {  	s5 =	sshll.u32 s28, $0x1;
	[dreg:$0x2] =	wrdreg s3  }
0xa9: {  	[dreg:$0x3] =	wrdreg s5  }
0xaa: {  	[dreg:$0x4] =	wrdreg $0xC0  }
0xab: {  	_ =	task [dreg:s7], $0x5FFFF  }
0xac: {  	[dreg:$0x1] =	wrdreg $0xFFFFFFFF  }
0xad: {  	[dreg:$0x0] =	wrdreg $0x60  }
0xae: {  	[dreg:$0x2] =	wrdreg s2  }
0xaf: {  	[dreg:$0x3] =	wrdreg s24  }
0xb0: {  	[dreg:$0x4] =	wrdreg $0x56800  }
0xb1: {  	[dreg:$0x5] =	wrdreg $0x9  }
0xb2: {  	_ =	task.clear_ibuf [dreg:s7], $0x6FFFF;
	_ =	strace $0x90000046  }
0xb3: {  	s29 =	simm.s32 $0x9;
	_ =	strace $0x80000048  }
0xb4: {  	_ =	swait.ge [sflag:s29], $0x1  }
0xb5: {  	[sflag:s29] =	ssyncadd.s32 $0xFFFFFFFF  }
0xb6: {  	_ =	strace $0x90000048  }
0xb7: {  	_ =	sfence  }
0xb8: {  	s30 =	sld [smem:$0x0];
	_ =	sdelay $0x2  }
0xb9: {  	s31 =	sshll.u32 s1, $0xD;
	s1 =	sshrl.u32 s1, $0x2  }
0xba: {  	s3 =	sand.u32 $0x4000, s31;
	s1 =	sadd.s32 s1, s30  }
0xbb: {  	s0 =	sor.u32 s3, s0;
	s1 =	sshll.u32 s1, $0x11  }
0xbc: {  	s0 =	sor.u32 s1, s0  }
0xbd: {  	s0 =	sadd.s32 $0x8F2B, s0  }
0xbe: {  	[sflag:s0] =	ssyncadd.remote.s32 $0x1  }
0xbf: {  	_ =	sfence.sel $0xFFFF  }
0xc0: {  	[dreg:$0x0] =	wrdreg $0xFFFFFFFF;
	(pc) =	sbr.abs _section_cstart, $3  }
0xc1: {  	[dreg:$0x1] =	wrdreg $0xFFFFFFFF  }
0xc2: {  	_ =	task.clear_ibuf [dreg:s7], $0x2FFFF;
	_ =	strace $0x9FFFFFFF  }
0xc3: {  	(tm) =	ssettm $0x7FFFFFFF  }
tec
execute0_lowered:
.L_overlay_start_1:
0x0: {  	(tag) =	ssettag $0x1  }
0x1: {  	s9 =	rddreg [dreg:$0x0]  }
0x2: {  	s1 =	srdreg.scid;
	s4 =	rddreg [dreg:$0x1]  }
0x3: {  	s0 =	stileid.u32;
	s2 =	rddreg [dreg:$0x2];
	s3 =	simm.s32 $0x0  }
0x4: {  	s13 =	simm.s32 $0x1;
	s14 =	simm.s32 $0x80;
	s6 =	smul.u32 $0x2800, s0  }
0x5: {  	s5 =	sand.u32 $0x1, s1;
	s1 =	rddreg [dreg:$0x3];
	s8 =	smul.u32 $0xA000, s0  }
0x6: {  	[smem:$0x7FF] =	sst s3;
	s11 =	smul.u32 $0x4E80, s0;
	s15 =	sshll.u32 s0, $0x6  }
0x7: {  	s7 =	smul.u32 $0x28000, s5;
	_ =	strace $0x80000047;
	s29 =	ssub.s32 $0x2, s5  }
0x8: {  	s30 =	smul.u32 $0x4E800, s5;
	s15 =	sor.u32 $0x1C01, s15;
	s31 =	sshrl.u32 s29, $0x1  }
0x9: {  	s8 =	sshrl.u32 s8, $0x2;
	s7 =	sadd.s32 s6, s7;
	s12 =	ssub.s32 s29, s31  }
0xa: {  	s8 =	sadd.s32 s8, s2;
	s11 =	sadd.s32 s11, s30;
	s7 =	sshrl.u32 s7, $0x3  }
0xb: {  	s5 =	sadd.s32 $0x800, s8;
	s11 =	sshrl.u32 s11, $0x3;
	s10 =	sadd.s32 s7, s4  }
0xc: {  	s4 =	sadd.s32 s6, s2;
	s6 =	sadd.s32 $0x1000, s8;
	s7 =	sadd.s32 $0x1800, s8  }
0xd: {  	s8 =	sadd.s32 $0x2000, s8;
	s9 =	sadd.s32 s9, s11;
	s11 =	smax.u32 s12, $0x1  }
0xe: {  	v0 =	vimm.f32 $0.0e+00;
	v1 =	vimm.f32 $1.000000000e+00;
	s12 =	simm.s32 $0x4E80;
	s10 =	sadd.s32 $0x1400, s10;
	s16 =	sshrl.u32 s4, $0x3  }
.LBB2_1:
0xf: {  	s17 =	simm.s32 $0x40;
	s18 =	simm.s32 $0x0  }
.LBB2_2:
0x10: {  	p0 =	sne.s32 s17, $0x1FC0;
	[tilespmem:s18+$0x4E80] =	vst v0;
	s18 =	smov.u32 s17;
	s17 =	sadd.s32 $0x40, s17  }
.Ltmp0:
0x11: {  	(pc) =	sbr.rel @p0 .LBB2_2-.Ltmp0, $2  }
0x12: {  	_ =	sdelay $0x2  }
0x13: {  	s18 =	sshra.s32 s18, $0x2  }
0x14: {  	[tilespmem:s18+$0x4E80] =	vst v0  }
0x15: {  	[spmem:s4] =	stream.linear.scatter [tilespmem:s12], [sflag:$0x1], $0x800, $0x38;
	[tilespmem:$0x7E80] =	vst v63  }
0x16: {  	_ =	swait.ge [sflag:s13], $0x800  }
0x17: {  	[sflag:s13] =	ssyncset.done $0x0  }
0x18: {  	[sflag:s13] =	ssyncadd.s32 $0xFFFFF800  }
0x19: {  	[spmem:s5] =	stream.linear.scatter [tilespmem:s12], [sflag:$0x1], $0x800, $0x38;
	[tilespmem:$0x7E80] =	vst v63  }
0x1a: {  	_ =	swait.ge [sflag:s13], $0x800  }
0x1b: {  	[sflag:s13] =	ssyncset.done $0x0  }
0x1c: {  	[sflag:s13] =	ssyncadd.s32 $0xFFFFF800  }
0x1d: {  	[spmem:s6] =	stream.linear.scatter [tilespmem:s12], [sflag:$0x1], $0x800, $0x38;
	[tilespmem:$0x7E80] =	vst v63  }
0x1e: {  	_ =	swait.ge [sflag:s13], $0x800  }
0x1f: {  	[sflag:s13] =	ssyncset.done $0x0  }
0x20: {  	[sflag:s13] =	ssyncadd.s32 $0xFFFFF800  }
0x21: {  	[spmem:s7] =	stream.linear.scatter [tilespmem:s12], [sflag:$0x1], $0x800, $0x38;
	[tilespmem:$0x7E80] =	vst v63  }
0x22: {  	_ =	swait.ge [sflag:s13], $0x800  }
0x23: {  	[sflag:s13] =	ssyncset.done $0x0  }
0x24: {  	[sflag:s13] =	ssyncadd.s32 $0xFFFFF800  }
0x25: {  	[spmem:s8] =	stream.linear.scatter [tilespmem:s12], [sflag:$0x1], $0x800, $0x38;
	[tilespmem:$0x7E80] =	vst v63  }
0x26: {  	_ =	swait.ge [sflag:s13], $0x800  }
0x27: {  	[sflag:s13] =	ssyncset.done $0x0  }
0x28: {  	[sflag:s13] =	ssyncadd.s32 $0xFFFFF800  }
0x29: {  	s17 =	simm.s32 $0x40;
	s18 =	simm.s32 $0x0;
	[bflag:$0x0] =	sbarrier.arrive $0xFFFF  }
.LBB2_4:
0x2a: {  	p0 =	sne.s32 s17, $0x1FC0;
	[tilespmem:s18+$0x4E80] =	vst v1;
	s18 =	smov.u32 s17;
	s17 =	sadd.s32 $0x40, s17  }
.Ltmp1:
0x2b: {  	(pc) =	sbr.rel @p0 .LBB2_4-.Ltmp1, $2  }
0x2c: {  	_ =	sdelay $0x2  }
0x2d: {  	s18 =	sshra.s32 s18, $0x2  }
0x2e: {  	[tilespmem:s18+$0x4E80] =	vst v1;
	s17 =	simm.s32 $0x0  }
0x2f: {  	[tilespmem:s17], [sflag:$0x1] =	stream.linear.gather [hbm4b:s9+s17], $0x4E80, $0x38;
	[tilespmem:$0x7E80] =	vst v63  }
0x30: {  	_ =	swait.ge [sflag:s13], $0x4E80  }
0x31: {  	[sflag:s13] =	ssyncset.done $0x0  }
0x32: {  	s31 =	simm.s32 $0x0;
	[sflag:s13] =	ssyncadd.s32 $0xFFFFB180  }
0x33: {  	[spmem:s2] =	stream.indirect.scatter.add.f32 [tilespmem:s12], [sflag:$0x1], $0x10, s31, s14, $0xb8;
	[tilespmem:$0x7E80] =	vst v63  }
0x34: {  	_ =	swait.ge [sflag:s13], $0x800  }
0x35: {  	s17 =	simm.s32 $0x200;
	[sflag:s13] =	ssyncset.done $0x0  }
.LBB2_6:
0x36: {  	s18 =	sshra.s32 s17, $0x2;
	[sflag:s13] =	ssyncadd.s32 $0xFFFFF800;
	p0 =	sne.s32 s17, $0x13800  }
0x37: {  	[spmem:s2] =	stream.indirect.scatter.add.f32 [tilespmem:s12], [sflag:$0x1], $0x10, s18, s14, $0xb8;
	[tilespmem:$0x7E80] =	vst v63  }
.Ltmp2:
0x38: {  	_ = 	snop;
	(pc) =	sbr.rel @p0 .LBB2_6-.Ltmp2, $4  }
0x39: {  	_ = 	snop  }
0x3a: {  	s17 =	sadd.s32 $0x200, s17  }
0x3b: {  	_ =	swait.ge [sflag:s13], $0x800  }
0x3c: {  	[sflag:s13] =	ssyncset.done $0x0  }
0x3d: {  	s3 =	sadd.s32 $0x1, s3  }
0x3e: {  	[sflag:s13] =	ssyncadd.s32 $0xFFFFF800;
	p0 =	sne.s32 s3, s11  }
.Ltmp3:
0x3f: {  	[bflag:$0x0] =	sbarrier.arrive $0xFFFF;
	(pc) =	sbr.rel @p0 .LBB2_1-.Ltmp3, $4  }
0x40: {  	[hbm:s10], [sflag:s15] =	dma.local [spmem:s16], $0x500  }
0x41: {  	_ =	swait.ge [sflag:s13], $0x500  }
0x42: {  	[sflag:s13] =	ssyncset.done $0x0  }
0x43: {  	[sflag:s13] =	ssyncadd.s32 $0xFFFFFB00  }
0x44: {  	_ =	sfence.sel $0x180000  }
0x45: {  	[bflag:$0x0] =	sbarrier.arrive $0xFFFF  }
0x46: {  	p0 =	sne.s32 s0, $0x0;
	_ =	strace $0x90000047  }
0x47: {  	s0 =	sadd.s32 @!p0 $0x100000, s1;
	[bflag:$0x2] =	sbarrier.arrive $0xFFFF  }
0x48: {  	[sflag:s0] =	ssyncadd.tile.s32 @!p0 $0x1;
	_ =	shalt  }
.Lfunc_end2:
_tile_overlayer_lowered:
.L_overlay_start_2:
0x49: {  	(tag) =	ssettag $0x2  }
0x4a: {  	s0 =	rddreg [dreg:$0x0];
	s2 =	stileid.u32  }
0x4b: {  	s1 =	rddreg [dreg:$0x1];
	p0 =	sne.s32 s2, $0x0  }
0x4c: {  	s3 =	rddreg [dreg:$0x2];
	[bflag:$0x3] =	sbarrier.arrive $0xFFFF;
	s2 =	simm.s32 @!p0 $0x1C01  }
0x4d: {  	[timem:s3], [sflag:s2] =	dma.local @!p0 [hbm:s0], s1  }
0x4e: {  	s0 =	simm.s32 @!p0 $0x1  }
0x4f: {  	_ =	swait.ge @!p0 [sflag:s0], s1  }
0x50: {  	s1 =	ssub.s32 @!p0 $0x0, s1;
	[sflag:s0] =	ssyncset.done @!p0 $0x0  }
0x51: {  	[sflag:s0] =	ssyncadd.s32 @!p0 s1  }
0x52: {  	[bflag:$0x3] =	sbarrier.arrive $0xFFFF  }
0x53: {  	_ =	shalt  }

</sc_bundles>
